<compile_context>
chip_gen: v7x
topology: tpu7x:2x2x1
jax: 0.10.2.dev20260603
libtpu: 0.0.44.dev20260713+nightly
codegen_flags: <defaults>
</compile_context>

<pallas_src>
import functools

import jax
import jax.numpy as jnp
from jax import lax
from jax.experimental import pallas as pl
from jax.experimental.pallas import tpu as pltpu
from jax.experimental.pallas import tpu_sc as plsc

_B = 16384
_NC = 2
_NS = 16
_NW = _NC * _NS
_BPW = _B // _NW
_L = 16

_VALUE_RANGE = 8.0
_A_RANGE = 3.0
_D = 1.702


def _sigmoid(x):
    return 1.0 / (1.0 + jnp.exp(-x))


def _flat_pad(t):
    n = t.shape[0]
    pad = (-n) % 1024
    return jnp.pad(t, ((0, pad), (0, 0))).reshape(-1)


def _body(user_hbm, item_hbm, pair_hbm, theta_hbm, a_hbm, b_hbm, c_hbm,
          irf_hbm, th_hbm, tp_hbm,
          uidx, iidx, pidx, th_v, tp_v, a_v, b_v, c_v,
          irf_o, th_o, tp_o, sem, sem2):
    wid = lax.axis_index("s") * _NC + lax.axis_index("c")
    base = wid * _BPW

    icps = (pltpu.async_copy(user_hbm.at[pl.ds(base, _BPW)], uidx, sem),
            pltpu.async_copy(item_hbm.at[pl.ds(base, _BPW)], iidx, sem),
            pltpu.async_copy(pair_hbm.at[pl.ds(base, _BPW)], pidx, sem))
    for cp in icps:
        cp.wait()

    tcps = (pltpu.async_copy(theta_hbm.at[uidx], th_v, sem),
            pltpu.async_copy(theta_hbm.at[pidx], tp_v, sem))
    icps2 = (pltpu.async_copy(a_hbm.at[iidx], a_v, sem2),
             pltpu.async_copy(b_hbm.at[iidx], b_v, sem2),
             pltpu.async_copy(c_hbm.at[iidx], c_v, sem2))
    for cp in tcps:
        cp.wait()

    def chunk_theta(i):
        sl = pl.ds(i * _L, _L)
        theta = _VALUE_RANGE * (_sigmoid(th_v[sl]) - 0.5)
        theta_pair = _VALUE_RANGE * (_sigmoid(tp_v[sl]) - 0.5)
        th_v[sl] = theta
        th_o[sl] = _sigmoid(theta)
        tp_o[sl] = _sigmoid(theta_pair)

    plsc.parallel_loop(0, _BPW // _L, 1, unroll=4)(chunk_theta)

    for cp in icps2:
        cp.wait()

    def chunk_irf(i):
        sl = pl.ds(i * _L, _L)
        theta = th_v[sl]
        a = _A_RANGE * _sigmoid(a_v[sl])
        b = _VALUE_RANGE * (_sigmoid(b_v[sl]) - 0.5)
        c = _sigmoid(c_v[sl])
        irf_o[sl] = c + (1.0 - c) / (1.0 + jnp.exp(-_D * a * (theta - b)))

    plsc.parallel_loop(0, _BPW // _L, 1, unroll=4)(chunk_irf)

    ocps = (pltpu.async_copy(irf_o, irf_hbm.at[pl.ds(base, _BPW)], sem),
            pltpu.async_copy(th_o, th_hbm.at[pl.ds(base, _BPW)], sem),
            pltpu.async_copy(tp_o, tp_hbm.at[pl.ds(base, _BPW)], sem))
    for cp in ocps:
        cp.wait()


_irt_sc = functools.partial(
    pl.kernel,
    mesh=plsc.VectorSubcoreMesh(core_axis_name="c", subcore_axis_name="s"),
    out_type=(jax.ShapeDtypeStruct((_B,), jnp.float32),
              jax.ShapeDtypeStruct((_B,), jnp.float32),
              jax.ShapeDtypeStruct((_B,), jnp.float32)),
    scratch_types=[
        pltpu.VMEM((_BPW,), jnp.int32),
        pltpu.VMEM((_BPW,), jnp.int32),
        pltpu.VMEM((_BPW,), jnp.int32),
        pltpu.VMEM((_BPW,), jnp.float32),
        pltpu.VMEM((_BPW,), jnp.float32),
        pltpu.VMEM((_BPW,), jnp.float32),
        pltpu.VMEM((_BPW,), jnp.float32),
        pltpu.VMEM((_BPW,), jnp.float32),
        pltpu.VMEM((_BPW,), jnp.float32),
        pltpu.VMEM((_BPW,), jnp.float32),
        pltpu.VMEM((_BPW,), jnp.float32),
        pltpu.SemaphoreType.DMA,
        pltpu.SemaphoreType.DMA,
    ],
)(_body)


def kernel(user, item, user_pair, theta_w, a_w, b_w, c_w):
    return _irt_sc(user, item, user_pair,
                   _flat_pad(theta_w), _flat_pad(a_w),
                   _flat_pad(b_w), _flat_pad(c_w))

# --- scband reference (transcript-rebuilt; emitter-appended) ---
"""Pipeline reference for scband-irtnet-53051436040642 (READ-ONLY COPY).

The authoritative reference and input builder live on the scoring server;
editing this copy changes nothing except your own understanding.
"""

import jax, jax.numpy as jnp
import numpy as np

USER_NUM = 1000000
ITEM_NUM = 100000
VALUE_RANGE = 8.0
A_RANGE = 3.0
D = 1.702
B = 16384


def setup_inputs(seed: int = 0) -> dict:
    key = jax.random.key(seed)
    k1, k2, k3, k4, k5, k6, k7 = jax.random.split(key, 7)
    user = jax.random.randint(k1, (B,), 0, USER_NUM, dtype=jnp.int32)
    item = jax.random.randint(k2, (B,), 0, ITEM_NUM, dtype=jnp.int32)
    user_pair = jax.random.randint(k3, (B,), 0, USER_NUM, dtype=jnp.int32)
    theta_w = jax.random.normal(k4, (USER_NUM, 1), dtype=jnp.float32)
    a_w = jax.random.normal(k5, (ITEM_NUM, 1), dtype=jnp.float32)
    b_w = jax.random.normal(k6, (ITEM_NUM, 1), dtype=jnp.float32)
    c_w = jax.random.normal(k7, (ITEM_NUM, 1), dtype=jnp.float32)
    return {"user": user, "item": item, "user_pair": user_pair,
            "theta_w": theta_w, "a_w": a_w, "b_w": b_w, "c_w": c_w}


def _irt3pl(theta, a, b, c):
    return c + (1.0 - c) / (1.0 + jnp.exp(-D * a * (theta - b)))


def reference(user, item, user_pair, theta_w, a_w, b_w, c_w):
    theta = jnp.squeeze(jnp.take(theta_w, user, axis=0), axis=-1)
    theta_pair = jnp.squeeze(jnp.take(theta_w, user_pair, axis=0), axis=-1)
    a = jnp.squeeze(jnp.take(a_w, item, axis=0), axis=-1)
    b = jnp.squeeze(jnp.take(b_w, item, axis=0), axis=-1)
    c = jnp.squeeze(jnp.take(c_w, item, axis=0), axis=-1)
    c = jax.nn.sigmoid(c)
    theta = VALUE_RANGE * (jax.nn.sigmoid(theta) - 0.5)
    theta_pair = VALUE_RANGE * (jax.nn.sigmoid(theta_pair) - 0.5)
    b = VALUE_RANGE * (jax.nn.sigmoid(b) - 0.5)
    a = A_RANGE * jax.nn.sigmoid(a)
    irf = _irt3pl(theta, a, b, c)
    return (irf, jax.nn.sigmoid(theta), jax.nn.sigmoid(theta_pair))

if __name__ == "__main__":
    import jax
    _d = setup_inputs()
    print(jax.jit(kernel)(*tuple(_d.values())))

</pallas_src>

<mosaic_0001>
#map = affine_map<(d0, d1) -> (0)>
module attributes {stable_mosaic.version = 14 : i64} {
  func.func @_body(%arg0: i32, %arg1: i32, %arg2: memref<16384xi32, #tpu.memory_space<hbm>>, %arg3: memref<16384xi32, #tpu.memory_space<hbm>>, %arg4: memref<16384xi32, #tpu.memory_space<hbm>>, %arg5: memref<1000448xf32, #tpu.memory_space<hbm>>, %arg6: memref<100352xf32, #tpu.memory_space<hbm>>, %arg7: memref<100352xf32, #tpu.memory_space<hbm>>, %arg8: memref<100352xf32, #tpu.memory_space<hbm>>, %arg9: memref<16384xf32, #tpu.memory_space<hbm>>, %arg10: memref<16384xf32, #tpu.memory_space<hbm>>, %arg11: memref<16384xf32, #tpu.memory_space<hbm>>, %arg12: memref<512xi32, #tpu.memory_space<vmem>>, %arg13: memref<512xi32, #tpu.memory_space<vmem>>, %arg14: memref<512xi32, #tpu.memory_space<vmem>>, %arg15: memref<512xf32, #tpu.memory_space<vmem>>, %arg16: memref<512xf32, #tpu.memory_space<vmem>>, %arg17: memref<512xf32, #tpu.memory_space<vmem>>, %arg18: memref<512xf32, #tpu.memory_space<vmem>>, %arg19: memref<512xf32, #tpu.memory_space<vmem>>, %arg20: memref<512xf32, #tpu.memory_space<vmem>>, %arg21: memref<512xf32, #tpu.memory_space<vmem>>, %arg22: memref<512xf32, #tpu.memory_space<vmem>>, %arg23: memref<!tpu.dma_semaphore, #tpu.memory_space<semaphore_mem>>, %arg24: memref<!tpu.dma_semaphore, #tpu.memory_space<semaphore_mem>>) attributes {dimension_semantics = [#tpu.dimension_semantics<core_parallel>, #tpu.dimension_semantics<subcore_parallel>], iteration_bounds = array<i64: 2, 16>, scalar_prefetch = 0 : i64, scratch_operands = 13 : i64, tpu.core_type = #tpu.core_type<sc_vector_subcore>, window_params = [{transform_indices = #map}, {transform_indices = #map}, {transform_indices = #map}, {transform_indices = #map}, {transform_indices = #map}, {transform_indices = #map}, {transform_indices = #map}, {transform_indices = #map}, {transform_indices = #map}, {transform_indices = #map}]} {
    %mul3A = arith.constant 2 : i32
    %mul3A_0 = arith.muli %arg1, %mul3A : i32
    %add3A = arith.addi %mul3A_0, %arg0 : i32
    %mul3A_1 = arith.constant 512 : i32
    %mul3A_2 = arith.muli %add3A, %mul3A_1 : i32
    %dma_start3A = tpu.memref_slice %arg2[%mul3A_2] : memref<16384xi32, #tpu.memory_space<hbm>> -> memref<512xi32, #tpu.memory_space<hbm>>
    %dma_start3A_3 = tpu.memref_slice %arg2[%mul3A_2] : memref<16384xi32, #tpu.memory_space<hbm>> -> memref<512xi32, #tpu.memory_space<hbm>>
    tpu.enqueue_dma source(%dma_start3A_3 : memref<512xi32, #tpu.memory_space<hbm>>) target(%arg12 : memref<512xi32, #tpu.memory_space<vmem>>) target_semaphore(%arg23 : memref<!tpu.dma_semaphore, #tpu.memory_space<semaphore_mem>>)
    %dma_start3A_4 = tpu.memref_slice %arg3[%mul3A_2] : memref<16384xi32, #tpu.memory_space<hbm>> -> memref<512xi32, #tpu.memory_space<hbm>>
    %dma_start3A_5 = tpu.memref_slice %arg3[%mul3A_2] : memref<16384xi32, #tpu.memory_space<hbm>> -> memref<512xi32, #tpu.memory_space<hbm>>
    tpu.enqueue_dma source(%dma_start3A_5 : memref<512xi32, #tpu.memory_space<hbm>>) target(%arg13 : memref<512xi32, #tpu.memory_space<vmem>>) target_semaphore(%arg23 : memref<!tpu.dma_semaphore, #tpu.memory_space<semaphore_mem>>)
    %dma_start3A_6 = tpu.memref_slice %arg4[%mul3A_2] : memref<16384xi32, #tpu.memory_space<hbm>> -> memref<512xi32, #tpu.memory_space<hbm>>
    %dma_start3A_7 = tpu.memref_slice %arg4[%mul3A_2] : memref<16384xi32, #tpu.memory_space<hbm>> -> memref<512xi32, #tpu.memory_space<hbm>>
    tpu.enqueue_dma source(%dma_start3A_7 : memref<512xi32, #tpu.memory_space<hbm>>) target(%arg14 : memref<512xi32, #tpu.memory_space<vmem>>) target_semaphore(%arg23 : memref<!tpu.dma_semaphore, #tpu.memory_space<semaphore_mem>>)
    %dma_wait3A = tpu.memref_slice %arg2[%mul3A_2] : memref<16384xi32, #tpu.memory_space<hbm>> -> memref<512xi32, #tpu.memory_space<hbm>>
    %dma_wait3A_8 = tpu.memref_slice %arg2[%mul3A_2] : memref<16384xi32, #tpu.memory_space<hbm>> -> memref<512xi32, #tpu.memory_space<hbm>>
    tpu.wait_dma2 semaphore(%arg23 : memref<!tpu.dma_semaphore, #tpu.memory_space<semaphore_mem>>) src(%dma_wait3A_8 : memref<512xi32, #tpu.memory_space<hbm>>) dst(%arg12 : memref<512xi32, #tpu.memory_space<vmem>>)
    %dma_wait3A_9 = tpu.memref_slice %arg3[%mul3A_2] : memref<16384xi32, #tpu.memory_space<hbm>> -> memref<512xi32, #tpu.memory_space<hbm>>
    %dma_wait3A_10 = tpu.memref_slice %arg3[%mul3A_2] : memref<16384xi32, #tpu.memory_space<hbm>> -> memref<512xi32, #tpu.memory_space<hbm>>
    tpu.wait_dma2 semaphore(%arg23 : memref<!tpu.dma_semaphore, #tpu.memory_space<semaphore_mem>>) src(%dma_wait3A_10 : memref<512xi32, #tpu.memory_space<hbm>>) dst(%arg13 : memref<512xi32, #tpu.memory_space<vmem>>)
    %dma_wait3A_11 = tpu.memref_slice %arg4[%mul3A_2] : memref<16384xi32, #tpu.memory_space<hbm>> -> memref<512xi32, #tpu.memory_space<hbm>>
    %dma_wait3A_12 = tpu.memref_slice %arg4[%mul3A_2] : memref<16384xi32, #tpu.memory_space<hbm>> -> memref<512xi32, #tpu.memory_space<hbm>>
    tpu.wait_dma2 semaphore(%arg23 : memref<!tpu.dma_semaphore, #tpu.memory_space<semaphore_mem>>) src(%dma_wait3A_12 : memref<512xi32, #tpu.memory_space<hbm>>) dst(%arg14 : memref<512xi32, #tpu.memory_space<vmem>>)
    %dma_start3A_13 = arith.constant 0 : i32
    %dma_start3A_14 = tpu.memref_slice %arg5[%dma_start3A_13] : memref<1000448xf32, #tpu.memory_space<hbm>> -> memref<1000448xf32, #tpu.memory_space<hbm>>
    tpu.enqueue_indirect_dma source(%dma_start3A_14 : memref<1000448xf32, #tpu.memory_space<hbm>>) target(%arg15 : memref<512xf32, #tpu.memory_space<vmem>>) offsets(%arg12 : memref<512xi32, #tpu.memory_space<vmem>>) semaphore(%arg23 : memref<!tpu.dma_semaphore, #tpu.memory_space<semaphore_mem>>)
    %dma_start3A_15 = arith.constant 0 : i32
    %dma_start3A_16 = tpu.memref_slice %arg5[%dma_start3A_15] : memref<1000448xf32, #tpu.memory_space<hbm>> -> memref<1000448xf32, #tpu.memory_space<hbm>>
    tpu.enqueue_indirect_dma source(%dma_start3A_16 : memref<1000448xf32, #tpu.memory_space<hbm>>) target(%arg16 : memref<512xf32, #tpu.memory_space<vmem>>) offsets(%arg14 : memref<512xi32, #tpu.memory_space<vmem>>) semaphore(%arg23 : memref<!tpu.dma_semaphore, #tpu.memory_space<semaphore_mem>>)
    %dma_start3A_17 = arith.constant 0 : i32
    %dma_start3A_18 = tpu.memref_slice %arg6[%dma_start3A_17] : memref<100352xf32, #tpu.memory_space<hbm>> -> memref<100352xf32, #tpu.memory_space<hbm>>
    tpu.enqueue_indirect_dma source(%dma_start3A_18 : memref<100352xf32, #tpu.memory_space<hbm>>) target(%arg17 : memref<512xf32, #tpu.memory_space<vmem>>) offsets(%arg13 : memref<512xi32, #tpu.memory_space<vmem>>) semaphore(%arg24 : memref<!tpu.dma_semaphore, #tpu.memory_space<semaphore_mem>>)
    %dma_start3A_19 = arith.constant 0 : i32
    %dma_start3A_20 = tpu.memref_slice %arg7[%dma_start3A_19] : memref<100352xf32, #tpu.memory_space<hbm>> -> memref<100352xf32, #tpu.memory_space<hbm>>
    tpu.enqueue_indirect_dma source(%dma_start3A_20 : memref<100352xf32, #tpu.memory_space<hbm>>) target(%arg18 : memref<512xf32, #tpu.memory_space<vmem>>) offsets(%arg13 : memref<512xi32, #tpu.memory_space<vmem>>) semaphore(%arg24 : memref<!tpu.dma_semaphore, #tpu.memory_space<semaphore_mem>>)
    %dma_start3A_21 = arith.constant 0 : i32
    %dma_start3A_22 = tpu.memref_slice %arg8[%dma_start3A_21] : memref<100352xf32, #tpu.memory_space<hbm>> -> memref<100352xf32, #tpu.memory_space<hbm>>
    tpu.enqueue_indirect_dma source(%dma_start3A_22 : memref<100352xf32, #tpu.memory_space<hbm>>) target(%arg19 : memref<512xf32, #tpu.memory_space<vmem>>) offsets(%arg13 : memref<512xi32, #tpu.memory_space<vmem>>) semaphore(%arg24 : memref<!tpu.dma_semaphore, #tpu.memory_space<semaphore_mem>>)
    %dma_wait3A_23 = arith.constant 0 : i32
    %dma_wait3A_24 = tpu.memref_slice %arg5[%dma_wait3A_23] : memref<1000448xf32, #tpu.memory_space<hbm>> -> memref<1000448xf32, #tpu.memory_space<hbm>>
    tpu.wait_indirect_dma semaphore(%arg23 : memref<!tpu.dma_semaphore, #tpu.memory_space<semaphore_mem>>) src(%dma_wait3A_24 : memref<1000448xf32, #tpu.memory_space<hbm>>) dst(%arg15 : memref<512xf32, #tpu.memory_space<vmem>>)
    %dma_wait3A_25 = arith.constant 0 : i32
    %dma_wait3A_26 = tpu.memref_slice %arg5[%dma_wait3A_25] : memref<1000448xf32, #tpu.memory_space<hbm>> -> memref<1000448xf32, #tpu.memory_space<hbm>>
    tpu.wait_indirect_dma semaphore(%arg23 : memref<!tpu.dma_semaphore, #tpu.memory_space<semaphore_mem>>) src(%dma_wait3A_26 : memref<1000448xf32, #tpu.memory_space<hbm>>) dst(%arg16 : memref<512xf32, #tpu.memory_space<vmem>>)
    %parallel_loop3A = arith.constant 0 : i32
    %parallel_loop3A_27 = arith.constant 32 : i32
    %parallel_loop3A_28 = arith.constant 1 : i32
    scf.for %parallel_loop3A_50 = %parallel_loop3A to %parallel_loop3A_27 step %parallel_loop3A_28  : i32 {
      %parallel_loop3A_51 = arith.constant 16 : i32
      %parallel_loop3A_52 = arith.muli %parallel_loop3A_50, %parallel_loop3A_51 : i32
      %parallel_loop3A_53 = arith.index_cast %parallel_loop3A_52 : i32 to index
      %parallel_loop3A_54 = tpu.vector_load %arg15[%parallel_loop3A_53] {strides = array<i32>} : memref<512xf32, #tpu.memory_space<vmem>>, vector<16xf32>,
      %parallel_loop3A_55 = vector.shape_cast %parallel_loop3A_54 : vector<16xf32> to vector<16xf32>
      %parallel_loop3A_56 = arith.constant 0.000000e+00 : f32
      %parallel_loop3A_57 = vector.broadcast %parallel_loop3A_56 : f32 to vector<16xf32>
      %parallel_loop3A_58 = arith.subf %parallel_loop3A_57, %parallel_loop3A_55 : vector<16xf32>
      %parallel_loop3A_59 = math.exp %parallel_loop3A_58 : vector<16xf32>
      %parallel_loop3A_60 = arith.constant 1.000000e+00 : f32
      %parallel_loop3A_61 = vector.broadcast %parallel_loop3A_60 : f32 to vector<16xf32>
      %parallel_loop3A_62 = arith.addf %parallel_loop3A_61, %parallel_loop3A_59 : vector<16xf32>
      %parallel_loop3A_63 = arith.constant 1.000000e+00 : f32
      %parallel_loop3A_64 = vector.broadcast %parallel_loop3A_63 : f32 to vector<16xf32>
      %parallel_loop3A_65 = arith.divf %parallel_loop3A_64, %parallel_loop3A_62 : vector<16xf32>
      %parallel_loop3A_66 = arith.constant 5.000000e-01 : f32
      %parallel_loop3A_67 = vector.broadcast %parallel_loop3A_66 : f32 to vector<16xf32>
      %parallel_loop3A_68 = arith.subf %parallel_loop3A_65, %parallel_loop3A_67 : vector<16xf32>
      %parallel_loop3A_69 = arith.constant 8.000000e+00 : f32
      %parallel_loop3A_70 = vector.broadcast %parallel_loop3A_69 : f32 to vector<16xf32>
      %parallel_loop3A_71 = arith.mulf %parallel_loop3A_70, %parallel_loop3A_68 : vector<16xf32>
      %parallel_loop3A_72 = arith.index_cast %parallel_loop3A_52 : i32 to index
      %parallel_loop3A_73 = tpu.vector_load %arg16[%parallel_loop3A_72] {strides = array<i32>} : memref<512xf32, #tpu.memory_space<vmem>>, vector<16xf32>,
      %parallel_loop3A_74 = vector.shape_cast %parallel_loop3A_73 : vector<16xf32> to vector<16xf32>
      %parallel_loop3A_75 = arith.constant 0.000000e+00 : f32
      %parallel_loop3A_76 = vector.broadcast %parallel_loop3A_75 : f32 to vector<16xf32>
      %parallel_loop3A_77 = arith.subf %parallel_loop3A_76, %parallel_loop3A_74 : vector<16xf32>
      %parallel_loop3A_78 = math.exp %parallel_loop3A_77 : vector<16xf32>
      %parallel_loop3A_79 = arith.constant 1.000000e+00 : f32
      %parallel_loop3A_80 = vector.broadcast %parallel_loop3A_79 : f32 to vector<16xf32>
      %parallel_loop3A_81 = arith.addf %parallel_loop3A_80, %parallel_loop3A_78 : vector<16xf32>
      %parallel_loop3A_82 = arith.constant 1.000000e+00 : f32
      %parallel_loop3A_83 = vector.broadcast %parallel_loop3A_82 : f32 to vector<16xf32>
      %parallel_loop3A_84 = arith.divf %parallel_loop3A_83, %parallel_loop3A_81 : vector<16xf32>
      %parallel_loop3A_85 = arith.constant 5.000000e-01 : f32
      %parallel_loop3A_86 = vector.broadcast %parallel_loop3A_85 : f32 to vector<16xf32>
      %parallel_loop3A_87 = arith.subf %parallel_loop3A_84, %parallel_loop3A_86 : vector<16xf32>
      %parallel_loop3A_88 = arith.constant 8.000000e+00 : f32
      %parallel_loop3A_89 = vector.broadcast %parallel_loop3A_88 : f32 to vector<16xf32>
      %parallel_loop3A_90 = arith.mulf %parallel_loop3A_89, %parallel_loop3A_87 : vector<16xf32>
      %parallel_loop3A_91 = arith.index_cast %parallel_loop3A_52 : i32 to index
      %parallel_loop3A_92 = tpu.vector_load %arg15[%parallel_loop3A_91] {strides = array<i32>} : memref<512xf32, #tpu.memory_space<vmem>>, vector<16xf32>,
      %parallel_loop3A_93 = vector.shape_cast %parallel_loop3A_92 : vector<16xf32> to vector<16xf32>
      %parallel_loop3A_94 = vector.shape_cast %parallel_loop3A_71 : vector<16xf32> to vector<16xf32>
      tpu.vector_store %arg15[%parallel_loop3A_91], %parallel_loop3A_94 {strides = array<i32>} : memref<512xf32, #tpu.memory_space<vmem>>, vector<16xf32>,
      %parallel_loop3A_95 = arith.constant 0.000000e+00 : f32
      %parallel_loop3A_96 = vector.broadcast %parallel_loop3A_95 : f32 to vector<16xf32>
      %parallel_loop3A_97 = arith.subf %parallel_loop3A_96, %parallel_loop3A_71 : vector<16xf32>
      %parallel_loop3A_98 = math.exp %parallel_loop3A_97 : vector<16xf32>
      %parallel_loop3A_99 = arith.constant 1.000000e+00 : f32
      %parallel_loop3A_100 = vector.broadcast %parallel_loop3A_99 : f32 to vector<16xf32>
      %parallel_loop3A_101 = arith.addf %parallel_loop3A_100, %parallel_loop3A_98 : vector<16xf32>
      %parallel_loop3A_102 = arith.constant 1.000000e+00 : f32
      %parallel_loop3A_103 = vector.broadcast %parallel_loop3A_102 : f32 to vector<16xf32>
      %parallel_loop3A_104 = arith.divf %parallel_loop3A_103, %parallel_loop3A_101 : vector<16xf32>
      %parallel_loop3A_105 = arith.index_cast %parallel_loop3A_52 : i32 to index
      %parallel_loop3A_106 = tpu.vector_load %arg21[%parallel_loop3A_105] {strides = array<i32>} : memref<512xf32, #tpu.memory_space<vmem>>, vector<16xf32>,
      %parallel_loop3A_107 = vector.shape_cast %parallel_loop3A_106 : vector<16xf32> to vector<16xf32>
      %parallel_loop3A_108 = vector.shape_cast %parallel_loop3A_104 : vector<16xf32> to vector<16xf32>
      tpu.vector_store %arg21[%parallel_loop3A_105], %parallel_loop3A_108 {strides = array<i32>} : memref<512xf32, #tpu.memory_space<vmem>>, vector<16xf32>,
      %parallel_loop3A_109 = arith.constant 0.000000e+00 : f32
      %parallel_loop3A_110 = vector.broadcast %parallel_loop3A_109 : f32 to vector<16xf32>
      %parallel_loop3A_111 = arith.subf %parallel_loop3A_110, %parallel_loop3A_90 : vector<16xf32>
      %parallel_loop3A_112 = math.exp %parallel_loop3A_111 : vector<16xf32>
      %parallel_loop3A_113 = arith.constant 1.000000e+00 : f32
      %parallel_loop3A_114 = vector.broadcast %parallel_loop3A_113 : f32 to vector<16xf32>
      %parallel_loop3A_115 = arith.addf %parallel_loop3A_114, %parallel_loop3A_112 : vector<16xf32>
      %parallel_loop3A_116 = arith.constant 1.000000e+00 : f32
      %parallel_loop3A_117 = vector.broadcast %parallel_loop3A_116 : f32 to vector<16xf32>
      %parallel_loop3A_118 = arith.divf %parallel_loop3A_117, %parallel_loop3A_115 : vector<16xf32>
      %parallel_loop3A_119 = arith.index_cast %parallel_loop3A_52 : i32 to index
      %parallel_loop3A_120 = tpu.vector_load %arg22[%parallel_loop3A_119] {strides = array<i32>} : memref<512xf32, #tpu.memory_space<vmem>>, vector<16xf32>,
      %parallel_loop3A_121 = vector.shape_cast %parallel_loop3A_120 : vector<16xf32> to vector<16xf32>
      %parallel_loop3A_122 = vector.shape_cast %parallel_loop3A_118 : vector<16xf32> to vector<16xf32>
      tpu.vector_store %arg22[%parallel_loop3A_119], %parallel_loop3A_122 {strides = array<i32>} : memref<512xf32, #tpu.memory_space<vmem>>, vector<16xf32>,
    } {sc.loop_unroll_factor = 4 : i64, sc.parallel_access}
    %dma_wait3A_29 = arith.constant 0 : i32
    %dma_wait3A_30 = tpu.memref_slice %arg6[%dma_wait3A_29] : memref<100352xf32, #tpu.memory_space<hbm>> -> memref<100352xf32, #tpu.memory_space<hbm>>
    tpu.wait_indirect_dma semaphore(%arg24 : memref<!tpu.dma_semaphore, #tpu.memory_space<semaphore_mem>>) src(%dma_wait3A_30 : memref<100352xf32, #tpu.memory_space<hbm>>) dst(%arg17 : memref<512xf32, #tpu.memory_space<vmem>>)
    %dma_wait3A_31 = arith.constant 0 : i32
    %dma_wait3A_32 = tpu.memref_slice %arg7[%dma_wait3A_31] : memref<100352xf32, #tpu.memory_space<hbm>> -> memref<100352xf32, #tpu.memory_space<hbm>>
    tpu.wait_indirect_dma semaphore(%arg24 : memref<!tpu.dma_semaphore, #tpu.memory_space<semaphore_mem>>) src(%dma_wait3A_32 : memref<100352xf32, #tpu.memory_space<hbm>>) dst(%arg18 : memref<512xf32, #tpu.memory_space<vmem>>)
    %dma_wait3A_33 = arith.constant 0 : i32
    %dma_wait3A_34 = tpu.memref_slice %arg8[%dma_wait3A_33] : memref<100352xf32, #tpu.memory_space<hbm>> -> memref<100352xf32, #tpu.memory_space<hbm>>
    tpu.wait_indirect_dma semaphore(%arg24 : memref<!tpu.dma_semaphore, #tpu.memory_space<semaphore_mem>>) src(%dma_wait3A_34 : memref<100352xf32, #tpu.memory_space<hbm>>) dst(%arg19 : memref<512xf32, #tpu.memory_space<vmem>>)
    %parallel_loop3A_35 = arith.constant 0 : i32
    %parallel_loop3A_36 = arith.constant 32 : i32
    %parallel_loop3A_37 = arith.constant 1 : i32
    scf.for %parallel_loop3A_50 = %parallel_loop3A_35 to %parallel_loop3A_36 step %parallel_loop3A_37  : i32 {
      %parallel_loop3A_51 = arith.constant 16 : i32
      %parallel_loop3A_52 = arith.muli %parallel_loop3A_50, %parallel_loop3A_51 : i32
      %parallel_loop3A_53 = arith.index_cast %parallel_loop3A_52 : i32 to index
      %parallel_loop3A_54 = tpu.vector_load %arg15[%parallel_loop3A_53] {strides = array<i32>} : memref<512xf32, #tpu.memory_space<vmem>>, vector<16xf32>,
      %parallel_loop3A_55 = vector.shape_cast %parallel_loop3A_54 : vector<16xf32> to vector<16xf32>
      %parallel_loop3A_56 = arith.index_cast %parallel_loop3A_52 : i32 to index
      %parallel_loop3A_57 = tpu.vector_load %arg17[%parallel_loop3A_56] {strides = array<i32>} : memref<512xf32, #tpu.memory_space<vmem>>, vector<16xf32>,
      %parallel_loop3A_58 = vector.shape_cast %parallel_loop3A_57 : vector<16xf32> to vector<16xf32>
      %parallel_loop3A_59 = arith.constant 0.000000e+00 : f32
      %parallel_loop3A_60 = vector.broadcast %parallel_loop3A_59 : f32 to vector<16xf32>
      %parallel_loop3A_61 = arith.subf %parallel_loop3A_60, %parallel_loop3A_58 : vector<16xf32>
      %parallel_loop3A_62 = math.exp %parallel_loop3A_61 : vector<16xf32>
      %parallel_loop3A_63 = arith.constant 1.000000e+00 : f32
      %parallel_loop3A_64 = vector.broadcast %parallel_loop3A_63 : f32 to vector<16xf32>
      %parallel_loop3A_65 = arith.addf %parallel_loop3A_64, %parallel_loop3A_62 : vector<16xf32>
      %parallel_loop3A_66 = arith.constant 1.000000e+00 : f32
      %parallel_loop3A_67 = vector.broadcast %parallel_loop3A_66 : f32 to vector<16xf32>
      %parallel_loop3A_68 = arith.divf %parallel_loop3A_67, %parallel_loop3A_65 : vector<16xf32>
      %parallel_loop3A_69 = arith.constant 3.000000e+00 : f32
      %parallel_loop3A_70 = vector.broadcast %parallel_loop3A_69 : f32 to vector<16xf32>
      %parallel_loop3A_71 = arith.mulf %parallel_loop3A_70, %parallel_loop3A_68 : vector<16xf32>
      %parallel_loop3A_72 = arith.index_cast %parallel_loop3A_52 : i32 to index
      %parallel_loop3A_73 = tpu.vector_load %arg18[%parallel_loop3A_72] {strides = array<i32>} : memref<512xf32, #tpu.memory_space<vmem>>, vector<16xf32>,
      %parallel_loop3A_74 = vector.shape_cast %parallel_loop3A_73 : vector<16xf32> to vector<16xf32>
      %parallel_loop3A_75 = arith.constant 0.000000e+00 : f32
      %parallel_loop3A_76 = vector.broadcast %parallel_loop3A_75 : f32 to vector<16xf32>
      %parallel_loop3A_77 = arith.subf %parallel_loop3A_76, %parallel_loop3A_74 : vector<16xf32>
      %parallel_loop3A_78 = math.exp %parallel_loop3A_77 : vector<16xf32>
      %parallel_loop3A_79 = arith.constant 1.000000e+00 : f32
      %parallel_loop3A_80 = vector.broadcast %parallel_loop3A_79 : f32 to vector<16xf32>
      %parallel_loop3A_81 = arith.addf %parallel_loop3A_80, %parallel_loop3A_78 : vector<16xf32>
      %parallel_loop3A_82 = arith.constant 1.000000e+00 : f32
      %parallel_loop3A_83 = vector.broadcast %parallel_loop3A_82 : f32 to vector<16xf32>
      %parallel_loop3A_84 = arith.divf %parallel_loop3A_83, %parallel_loop3A_81 : vector<16xf32>
      %parallel_loop3A_85 = arith.constant 5.000000e-01 : f32
      %parallel_loop3A_86 = vector.broadcast %parallel_loop3A_85 : f32 to vector<16xf32>
      %parallel_loop3A_87 = arith.subf %parallel_loop3A_84, %parallel_loop3A_86 : vector<16xf32>
      %parallel_loop3A_88 = arith.constant 8.000000e+00 : f32
      %parallel_loop3A_89 = vector.broadcast %parallel_loop3A_88 : f32 to vector<16xf32>
      %parallel_loop3A_90 = arith.mulf %parallel_loop3A_89, %parallel_loop3A_87 : vector<16xf32>
      %parallel_loop3A_91 = arith.index_cast %parallel_loop3A_52 : i32 to index
      %parallel_loop3A_92 = tpu.vector_load %arg19[%parallel_loop3A_91] {strides = array<i32>} : memref<512xf32, #tpu.memory_space<vmem>>, vector<16xf32>,
      %parallel_loop3A_93 = vector.shape_cast %parallel_loop3A_92 : vector<16xf32> to vector<16xf32>
      %parallel_loop3A_94 = arith.constant 0.000000e+00 : f32
      %parallel_loop3A_95 = vector.broadcast %parallel_loop3A_94 : f32 to vector<16xf32>
      %parallel_loop3A_96 = arith.subf %parallel_loop3A_95, %parallel_loop3A_93 : vector<16xf32>
      %parallel_loop3A_97 = math.exp %parallel_loop3A_96 : vector<16xf32>
      %parallel_loop3A_98 = arith.constant 1.000000e+00 : f32
      %parallel_loop3A_99 = vector.broadcast %parallel_loop3A_98 : f32 to vector<16xf32>
      %parallel_loop3A_100 = arith.addf %parallel_loop3A_99, %parallel_loop3A_97 : vector<16xf32>
      %parallel_loop3A_101 = arith.constant 1.000000e+00 : f32
      %parallel_loop3A_102 = vector.broadcast %parallel_loop3A_101 : f32 to vector<16xf32>
      %parallel_loop3A_103 = arith.divf %parallel_loop3A_102, %parallel_loop3A_100 : vector<16xf32>
      %parallel_loop3A_104 = arith.constant 1.000000e+00 : f32
      %parallel_loop3A_105 = vector.broadcast %parallel_loop3A_104 : f32 to vector<16xf32>
      %parallel_loop3A_106 = arith.subf %parallel_loop3A_105, %parallel_loop3A_103 : vector<16xf32>
      %parallel_loop3A_107 = arith.constant -1.702000e+00 : f32
      %parallel_loop3A_108 = vector.broadcast %parallel_loop3A_107 : f32 to vector<16xf32>
      %parallel_loop3A_109 = arith.mulf %parallel_loop3A_108, %parallel_loop3A_71 : vector<16xf32>
      %parallel_loop3A_110 = arith.subf %parallel_loop3A_55, %parallel_loop3A_90 : vector<16xf32>
      %parallel_loop3A_111 = arith.mulf %parallel_loop3A_109, %parallel_loop3A_110 : vector<16xf32>
      %parallel_loop3A_112 = math.exp %parallel_loop3A_111 : vector<16xf32>
      %parallel_loop3A_113 = arith.constant 1.000000e+00 : f32
      %parallel_loop3A_114 = vector.broadcast %parallel_loop3A_113 : f32 to vector<16xf32>
      %parallel_loop3A_115 = arith.addf %parallel_loop3A_114, %parallel_loop3A_112 : vector<16xf32>
      %parallel_loop3A_116 = arith.divf %parallel_loop3A_106, %parallel_loop3A_115 : vector<16xf32>
      %parallel_loop3A_117 = arith.addf %parallel_loop3A_103, %parallel_loop3A_116 : vector<16xf32>
      %parallel_loop3A_118 = arith.index_cast %parallel_loop3A_52 : i32 to index
      %parallel_loop3A_119 = tpu.vector_load %arg20[%parallel_loop3A_118] {strides = array<i32>} : memref<512xf32, #tpu.memory_space<vmem>>, vector<16xf32>,
      %parallel_loop3A_120 = vector.shape_cast %parallel_loop3A_119 : vector<16xf32> to vector<16xf32>
      %parallel_loop3A_121 = vector.shape_cast %parallel_loop3A_117 : vector<16xf32> to vector<16xf32>
      tpu.vector_store %arg20[%parallel_loop3A_118], %parallel_loop3A_121 {strides = array<i32>} : memref<512xf32, #tpu.memory_space<vmem>>, vector<16xf32>,
    } {sc.loop_unroll_factor = 4 : i64, sc.parallel_access}
    %dma_start3A_38 = tpu.memref_slice %arg9[%mul3A_2] : memref<16384xf32, #tpu.memory_space<hbm>> -> memref<512xf32, #tpu.memory_space<hbm>>
    %dma_start3A_39 = tpu.memref_slice %arg9[%mul3A_2] : memref<16384xf32, #tpu.memory_space<hbm>> -> memref<512xf32, #tpu.memory_space<hbm>>
    tpu.enqueue_dma source(%arg20 : memref<512xf32, #tpu.memory_space<vmem>>) target(%dma_start3A_39 : memref<512xf32, #tpu.memory_space<hbm>>) target_semaphore(%arg23 : memref<!tpu.dma_semaphore, #tpu.memory_space<semaphore_mem>>)
    %dma_start3A_40 = tpu.memref_slice %arg10[%mul3A_2] : memref<16384xf32, #tpu.memory_space<hbm>> -> memref<512xf32, #tpu.memory_space<hbm>>
    %dma_start3A_41 = tpu.memref_slice %arg10[%mul3A_2] : memref<16384xf32, #tpu.memory_space<hbm>> -> memref<512xf32, #tpu.memory_space<hbm>>
    tpu.enqueue_dma source(%arg21 : memref<512xf32, #tpu.memory_space<vmem>>) target(%dma_start3A_41 : memref<512xf32, #tpu.memory_space<hbm>>) target_semaphore(%arg23 : memref<!tpu.dma_semaphore, #tpu.memory_space<semaphore_mem>>)
    %dma_start3A_42 = tpu.memref_slice %arg11[%mul3A_2] : memref<16384xf32, #tpu.memory_space<hbm>> -> memref<512xf32, #tpu.memory_space<hbm>>
    %dma_start3A_43 = tpu.memref_slice %arg11[%mul3A_2] : memref<16384xf32, #tpu.memory_space<hbm>> -> memref<512xf32, #tpu.memory_space<hbm>>
    tpu.enqueue_dma source(%arg22 : memref<512xf32, #tpu.memory_space<vmem>>) target(%dma_start3A_43 : memref<512xf32, #tpu.memory_space<hbm>>) target_semaphore(%arg23 : memref<!tpu.dma_semaphore, #tpu.memory_space<semaphore_mem>>)
    %dma_wait3A_44 = tpu.memref_slice %arg9[%mul3A_2] : memref<16384xf32, #tpu.memory_space<hbm>> -> memref<512xf32, #tpu.memory_space<hbm>>
    %dma_wait3A_45 = tpu.memref_slice %arg9[%mul3A_2] : memref<16384xf32, #tpu.memory_space<hbm>> -> memref<512xf32, #tpu.memory_space<hbm>>
    tpu.wait_dma2 semaphore(%arg23 : memref<!tpu.dma_semaphore, #tpu.memory_space<semaphore_mem>>) src(%arg20 : memref<512xf32, #tpu.memory_space<vmem>>) dst(%dma_wait3A_45 : memref<512xf32, #tpu.memory_space<hbm>>)
    %dma_wait3A_46 = tpu.memref_slice %arg10[%mul3A_2] : memref<16384xf32, #tpu.memory_space<hbm>> -> memref<512xf32, #tpu.memory_space<hbm>>
    %dma_wait3A_47 = tpu.memref_slice %arg10[%mul3A_2] : memref<16384xf32, #tpu.memory_space<hbm>> -> memref<512xf32, #tpu.memory_space<hbm>>
    tpu.wait_dma2 semaphore(%arg23 : memref<!tpu.dma_semaphore, #tpu.memory_space<semaphore_mem>>) src(%arg21 : memref<512xf32, #tpu.memory_space<vmem>>) dst(%dma_wait3A_47 : memref<512xf32, #tpu.memory_space<hbm>>)
    %dma_wait3A_48 = tpu.memref_slice %arg11[%mul3A_2] : memref<16384xf32, #tpu.memory_space<hbm>> -> memref<512xf32, #tpu.memory_space<hbm>>
    %dma_wait3A_49 = tpu.memref_slice %arg11[%mul3A_2] : memref<16384xf32, #tpu.memory_space<hbm>> -> memref<512xf32, #tpu.memory_space<hbm>>
    tpu.wait_dma2 semaphore(%arg23 : memref<!tpu.dma_semaphore, #tpu.memory_space<semaphore_mem>>) src(%arg22 : memref<512xf32, #tpu.memory_space<vmem>>) dst(%dma_wait3A_49 : memref<512xf32, #tpu.memory_space<hbm>>)
    return
  }
}

</mosaic_0001>

<sc_bundles>
// kernel: kernel.3.cloned.1.call-start
scs
__scs_entry_jumppad:
0x0: {  	(pc) =	sbr.rel $0x88, $3  }
0x1: {  	(tag) =	ssettag $0x0;
	lr =	simm.s32 $0x1  }
0x2: {  	[smem:$0x3F9A] =	sst lr;
	_ =	strace $0xD0000000  }
0x3: {  	_ = 	snop  }
0x4: {  	_ = 	snop  }
0x5: {  	_ = 	snop  }
0x6: {  	_ = 	snop  }
0x7: {  	_ = 	snop  }
__scs_overlays_trampoline_lowered:
0x8: {  	[smem:$0x3FA9] =	sst s0  }
0x9: {  	[smem:$0x3FAA] =	sst s1  }
0xa: {  	[smem:$0x3FAB] =	sst s2  }
0xb: {  	[smem:$0x3FAC] =	sst s3  }
0xc: {  	[smem:$0x3FAD] =	sst s4  }
0xd: {  	[smem:$0x3FAE] =	sst s5  }
0xe: {  	[smem:$0x3FAF] =	sst s6  }
0xf: {  	[smem:$0x3FB0] =	sst s7  }
0x10: {  	[smem:$0x3FB1] =	sst s8  }
0x11: {  	[smem:$0x3FB2] =	sst s9;
	s0 =	simm.s32 @!p0 $0x0  }
0x12: {  	s1 =	sld [smem:$0x3F98];
	s0 =	simm.s32 @p0 $0x1  }
0x13: {  	[smem:$0x3FB3] =	sst s0;
	s0 =	simm.s32 @!p1 $0x0  }
0x14: {  	s2 =	sld [smem:$0x3F97];
	s0 =	simm.s32 @p1 $0x1  }
0x15: {  	[smem:$0x3FB4] =	sst s0;
	s0 =	simm.s32 @!p2 $0x0  }
0x16: {  	s3 =	sld [smem:$0x3FDB];
	s0 =	simm.s32 @p2 $0x1  }
0x17: {  	s4 =	simm.s32 $0x1BF5;
	[smem:$0x3FB6] =	sst s0  }
0x18: {  	s0 =	sld [smem:$0x3F99];
	_ =	swait.ge [sflag:s4], $0x0  }
0x19: {  	s7 =	sld [smem:$0x3F9A]  }
0x1a: {  	s8 =	sadd.s32 $0xFFFFE003, lr  }
0x1b: {  	s9 =	sadd.s32 $0xFFFFFEF7, lr;
	s5 =	simm.s32 $0xFFFFFFFF;
	p2 =	slt.u32 s8, $0xFFFFF086  }
0x1c: {  	p1 =	slt.u32 s9, $0xF7A;
	s5 =	simm.s32 @!p2 $0x0  }
0x1d: {  	s5 =	simm.s32 @p1 $0x1;
	p0 =	seq.s32 s7, s2  }
0x1e: {  	s7 =	smul.u32 @!p0 $0xF7A, s2;
	p2 =	seq.s32 @!p0 s5, $0x0  }
0x1f: {  	s9 =	smul.u32 $0xF7A, s1;
	s8 =	simm.s32 @!p0 $0x1BF5;
	p2 =	por !p2, p0  }
0x20: {  	[sflag:s8] =	ssyncset.s32 @!p0 $0xFFFFF086;
	s6 =	sadd.s32 @!p0 s3, s7;
	s7 =	simm.s32 @!p0 $0x108  }
0x21: {  	s3 =	sadd.s32 s3, s9;
	s6 =	sadd.s32 @!p0 $0x88, s6;
	s7 =	simm.s32 @p2 $0x1082  }
0x22: {  	[simem:s7], [sflag:s8] =	dma.local @!p0 [hbm:s6], $0xF7A  }
0x23: {  	s9 =	sor.u32 $0xD0000000, s2;
	s6 =	simm.s32 $0x108;
	_ =	swait.ge @!p0 [sflag:s8], $0x0  }
0x24: {  	s3 =	sadd.s32 $0x88, s3;
	s6 =	simm.s32 @!p1 $0x1082;
	[sflag:s4] =	ssyncset.s32 $0xFFFFF086  }
0x25: {  	[simem:s6], [sflag:s4] =	dma.local [hbm:s3], $0xF7A  }
0x26: {  	[smem:$0x3F9A] =	sst s1;
	(tag) =	ssettag s2;
	_ =	strace s9  }
0x27: {  	s1 =	sld [smem:$0x3FAA]  }
0x28: {  	s2 =	sld [smem:$0x3FAB]  }
0x29: {  	s4 =	sld [smem:$0x3FAD]  }
0x2a: {  	p0 =	seq.s32 s5, $0x0;
	s5 =	sld [smem:$0x3FAE]  }
0x2b: {  	s6 =	sld [smem:$0x3FAF]  }
0x2c: {  	s7 =	sld [smem:$0x3FB0]  }
0x2d: {  	s3 =	simm.s32 $0x108;
	s8 =	sld [smem:$0x3FB1]  }
0x2e: {  	s3 =	simm.s32 @!p0 $0x1082;
	s9 =	sld [smem:$0x3FB2]  }
0x2f: {  	lr =	sadd.s32 s0, s3;
	s0 =	sld [smem:$0x3FA9]  }
0x30: {  	s3 =	sld [smem:$0x3FAC]  }
0x31: {  	[smem:$0x3FB5] =	sst s10  }
0x32: {  	s10 =	sld [smem:$0x3FB3];
	_ =	sdelay $0x3  }
0x33: {  	p0 =	seq.s32 s10, $0x1;
	s10 =	sld [smem:$0x3FB5];
	_ =	sdelay $0x3  }
0x34: {  	[smem:$0x3FB5] =	sst s10  }
0x35: {  	s10 =	sld [smem:$0x3FB4];
	_ =	sdelay $0x3  }
0x36: {  	p1 =	seq.s32 s10, $0x1;
	s10 =	sld [smem:$0x3FB5];
	_ =	sdelay $0x3  }
0x37: {  	[smem:$0x3FB5] =	sst s10  }
0x38: {  	s10 =	sld [smem:$0x3FB6]  }
0x39: {  	_ = 	snop;
	(pc) =	sbr.ind lr, $3  }
0x3a: {  	_ = 	snop  }
0x3b: {  	_ = 	snop  }
0x3c: {  	p2 =	seq.s32 s10, $0x1;
	s10 =	sld [smem:$0x3FB5]  }
0x3d: {  	_ =	shalt  }
0x3e: {  	_ =	shalt  }
0x3f: {  	_ =	shalt  }
0x40: {  	_ =	shalt  }
0x41: {  	_ =	shalt  }
0x42: {  	_ =	shalt  }
0x43: {  	_ =	shalt  }
0x44: {  	_ =	shalt  }
0x45: {  	_ =	shalt  }
0x46: {  	_ =	shalt  }
0x47: {  	_ =	shalt  }
0x48: {  	_ =	shalt  }
0x49: {  	_ =	shalt  }
0x4a: {  	_ =	shalt  }
0x4b: {  	_ =	shalt  }
0x4c: {  	_ =	shalt  }
0x4d: {  	_ =	shalt  }
0x4e: {  	_ =	shalt  }
0x4f: {  	_ =	shalt  }
0x50: {  	_ =	shalt  }
0x51: {  	_ =	shalt  }
0x52: {  	_ =	shalt  }
0x53: {  	_ =	shalt  }
0x54: {  	_ =	shalt  }
0x55: {  	_ =	shalt  }
0x56: {  	_ =	shalt  }
0x57: {  	_ =	shalt  }
0x58: {  	_ =	shalt  }
0x59: {  	_ =	shalt  }
0x5a: {  	_ =	shalt  }
0x5b: {  	_ =	shalt  }
0x5c: {  	_ =	shalt  }
0x5d: {  	_ =	shalt  }
0x5e: {  	_ =	shalt  }
0x5f: {  	_ =	shalt  }
0x60: {  	_ =	shalt  }
0x61: {  	_ =	shalt  }
0x62: {  	_ =	shalt  }
0x63: {  	_ =	shalt  }
0x64: {  	_ =	shalt  }
0x65: {  	_ =	shalt  }
0x66: {  	_ =	shalt  }
0x67: {  	_ =	shalt  }
0x68: {  	_ =	shalt  }
0x69: {  	_ =	shalt  }
0x6a: {  	_ =	shalt  }
0x6b: {  	_ =	shalt  }
0x6c: {  	_ =	shalt  }
0x6d: {  	_ =	shalt  }
0x6e: {  	_ =	shalt  }
0x6f: {  	_ =	shalt  }
0x70: {  	_ =	shalt  }
0x71: {  	_ =	shalt  }
0x72: {  	_ =	shalt  }
0x73: {  	_ =	shalt  }
0x74: {  	_ =	shalt  }
0x75: {  	_ =	shalt  }
0x76: {  	_ =	shalt  }
0x77: {  	_ =	shalt  }
0x78: {  	_ =	shalt  }
0x79: {  	_ =	shalt  }
0x7a: {  	_ =	shalt  }
0x7b: {  	_ =	shalt  }
0x7c: {  	_ =	shalt  }
0x7d: {  	_ =	shalt  }
0x7e: {  	_ =	shalt  }
0x7f: {  	_ =	shalt  }
0x80: {  	_ =	shalt  }
0x81: {  	_ =	shalt  }
0x82: {  	_ =	shalt  }
0x83: {  	_ =	shalt  }
0x84: {  	_ =	shalt  }
0x85: {  	_ =	shalt  }
0x86: {  	_ =	shalt  }
0x87: {  	_ =	shalt  }
.Lfunc_end0:
.L_simem_size_0:
called_computation_lowered:
.L_overlay_start_0:
0x88: {  	s2 =	sld [smem:$0x3FD9]  }
0x89: {  	s3 =	sld [smem:$0x3FFE];
	_ =	sdelay $0x1  }
0x8a: {  	s1 =	srdreg.scid  }
0x8b: {  	s0 =	sand.u32 $0x1, s1  }
0x8c: {  	s14 =	sshll.u32 s0, $0xA;
	s2 =	sadd.s32 s3, s2  }
0x8d: {  	s2 =	sadd.s32 s2, s14  }
0x8e: {  	[smem:$0x3FC1] =	sst s2  }
0x8f: {  	_ = 	snop  }
0x90: {  	s2 =	sld [smem:$0x3FD0]  }
0x91: {  	s15 =	sld [smem:$0x3FC9]  }
0x92: {  	s4 =	sld [smem:$0x3FC8]  }
0x93: {  	s6 =	simm.s32 $0xA;
	s7 =	simm.s32 $0x10;
	s5 =	sld [smem:$0x3FC7]  }
0x94: {  	[smem:s7], [sflag:s6] =	dma.local [hbm:s2], $0x1  }
0x95: {  	_ =	swait.eq [sflag:s6], $0x1  }
0x96: {  	s16 =	sld [smem:$0x10];
	[sflag:s6] =	ssyncset.done $0x0  }
0x97: {  	s17 =	sld [smem:$0x11];
	[sflag:s6] =	ssyncadd.s32 $0xFFFFFFFF  }
0x98: {  	s18 =	sld [smem:$0x12];
	(tm) =	ssettm $0x1  }
0x99: {  	s8 =	sld [smem:$0x3FFB];
	_ =	sdelay $0x3  }
0x9a: {  	_ =	strace s8  }
0x9b: {  	s8 =	sld [smem:$0x3FFC];
	_ =	sdelay $0x3  }
0x9c: {  	_ =	strace s8  }
0x9d: {  	s8 =	sld [smem:$0x3FFD];
	_ =	sdelay $0x3  }
0x9e: {  	_ =	strace s8  }
0x9f: {  	_ =	strace $0x8FFFFFFF  }
0xa0: {  	s19 =	sld [smem:$0x3FDB];
	_ =	sdelay $0x1  }
0xa1: {  	s9 =	simm.s32 $_scs_section_size  }
0xa2: {  	s10 =	simm.s32 $_size__tile_overlayer_lowered;
	s11 =	simm.s32 $_tile_overlayer_lowered  }
0xa3: {  	s22 =	simm.s32 $0x1BFF;
	s21 =	sshll.u32 s11, $0x1;
	s8 =	sadd.s32 s9, s19  }
0xa4: {  	s12 =	simm.s32 $0x0;
	s20 =	sshll.u32 s10, $0x1;
	s10 =	sadd.s32 s21, s8  }
0xa5: {  	[timem:s12], [sflag:s22] =	dma.local [hbm:s10], s20  }
0xa6: {  	_ =	swait.ge [sflag:s22], s20  }
0xa7: {  	s9 =	ssub.s32 $0x0, s20;
	[sflag:s22] =	ssyncset.done $0x0  }
0xa8: {  	[sflag:s22] =	ssyncadd.s32 s9;
	_ =	sdelay $0x1  }
0xa9: {  	s23 =	simm.s32 $0x1B8B  }
0xaa: {  	_ =	swait.ge [sflag:s23], $0x1  }
0xab: {  	[sflag:s23] =	ssyncset.done $0x0  }
0xac: {  	s25 =	simm.s32 $0x1B8E;
	s24 =	sld [smem:$0x3FFE];
	[sflag:s23] =	ssyncadd.s32 $0xFFFFFFFF  }
0xad: {  	s26 =	simm.s32 $execute0_lowered;
	[smem:$0x3FD2] =	sst s25  }
0xae: {  	s10 =	sshll.u32 s26, $0x1;
	_ =	strace $0x80000046;
	[dreg:$0x1] =	wrdreg $0xFFFFFFFF  }
0xaf: {  	s28 =	simm.s32 $_size_execute0_lowered;
	s8 =	sadd.s32 s8, s10;
	[dreg:$0x0] =	wrdreg $0x0  }
0xb0: {  	s10 =	sshll.u32 s28, $0x1;
	[dreg:$0x2] =	wrdreg s8  }
0xb1: {  	[dreg:$0x3] =	wrdreg s10  }
0xb2: {  	[dreg:$0x4] =	wrdreg $0xC0  }
0xb3: {  	_ =	task [dreg:s12], $0x5FFFF  }
0xb4: {  	[dreg:$0x1] =	wrdreg $0xFFFFFFFF  }
0xb5: {  	[dreg:$0x0] =	wrdreg $0x60  }
0xb6: {  	[dreg:$0x2] =	wrdreg s15  }
0xb7: {  	[dreg:$0x3] =	wrdreg s4  }
0xb8: {  	[dreg:$0x4] =	wrdreg s5  }
0xb9: {  	[dreg:$0x5] =	wrdreg s24  }
0xba: {  	[dreg:$0x6] =	wrdreg s16  }
0xbb: {  	[dreg:$0x7] =	wrdreg s17  }
0xbc: {  	[dreg:$0x8] =	wrdreg s18  }
0xbd: {  	[dreg:$0x9] =	wrdreg $0x9  }
0xbe: {  	_ =	task.clear_ibuf [dreg:s12], $0xAFFFF;
	_ =	strace $0x90000046  }
0xbf: {  	s29 =	simm.s32 $0x9;
	_ =	strace $0x80000048  }
0xc0: {  	_ =	swait.ge [sflag:s29], $0x1  }
0xc1: {  	[sflag:s29] =	ssyncadd.s32 $0xFFFFFFFF  }
0xc2: {  	_ =	strace $0x90000048  }
0xc3: {  	_ =	sfence  }
0xc4: {  	s30 =	sld [smem:$0x0];
	_ =	sdelay $0x2  }
0xc5: {  	s31 =	sshll.u32 s1, $0xD;
	s1 =	sshrl.u32 s1, $0x2  }
0xc6: {  	s3 =	sand.u32 $0x4000, s31;
	s1 =	sadd.s32 s1, s30  }
0xc7: {  	s0 =	sor.u32 s3, s0;
	s1 =	sshll.u32 s1, $0x11  }
0xc8: {  	s0 =	sor.u32 s1, s0  }
0xc9: {  	s0 =	sadd.s32 $0x8F2B, s0  }
0xca: {  	[sflag:s0] =	ssyncadd.remote.s32 $0x1  }
0xcb: {  	_ =	sfence.sel $0xFFFF  }
0xcc: {  	[dreg:$0x0] =	wrdreg $0xFFFFFFFF;
	(pc) =	sbr.abs _section_cstart, $3  }
0xcd: {  	[dreg:$0x1] =	wrdreg $0xFFFFFFFF  }
0xce: {  	_ =	task.clear_ibuf [dreg:s12], $0x2FFFF;
	_ =	strace $0x9FFFFFFF  }
0xcf: {  	(tm) =	ssettm $0x7FFFFFFF  }
tec
execute0_lowered:
.L_overlay_start_1:
0x0: {  	(tag) =	ssettag $0x1  }
0x1: {  	s0 =	rddreg [dreg:$0x0]  }
0x2: {  	s2 =	rddreg [dreg:$0x1]  }
0x3: {  	s9 =	rddreg [dreg:$0x2]  }
0x4: {  	s6 =	rddreg [dreg:$0x3]  }
0x5: {  	s10 =	rddreg [dreg:$0x4]  }
0x6: {  	s11 =	rddreg [dreg:$0x5]  }
0x7: {  	s12 =	rddreg [dreg:$0x6]  }
0x8: {  	s1 =	simm.s32 $0x0;
	s7 =	srdreg.scid;
	s13 =	stileid.u32  }
0x9: {  	s15 =	simm.s32 $0x400;
	s16 =	simm.s32 $0x1;
	s22 =	simm.s32 $0x2  }
0xa: {  	s24 =	simm.s32 $0x1200;
	s25 =	simm.s32 $0x1400;
	s26 =	simm.s32 $0x0  }
0xb: {  	[smem:$0x7FF] =	sst s1;
	s3 =	sadd.s32 $0x9C00, s6;
	s4 =	sadd.s32 $0x600, s6  }
0xc: {  	s5 =	sadd.s32 $0x3800, s6;
	s7 =	sand.u32 $0x1, s7;
	s13 =	sshll.u32 s13, $0x7  }
0xd: {  	s6 =	sadd.s32 $0x6A00, s6;
	s8 =	ssub.s32 $0x2, s7;
	s7 =	sshll.u32 s7, $0x6  }
0xe: {  	_ =	strace $0x80000047;
	s14 =	sshrl.u32 s8, $0x1;
	s13 =	sor.u32 s7, s13  }
0xf: {  	s14 =	ssub.s32 s8, s14;
	s7 =	sadd.s32 s0, s13;
	s8 =	sadd.s32 s2, s13  }
0x10: {  	s9 =	sadd.s32 s9, s13;
	s10 =	sadd.s32 s10, s13;
	s11 =	sadd.s32 s11, s13  }
0x11: {  	s12 =	sadd.s32 s12, s13;
	s13 =	smax.u32 s14, $0x1;
	s14 =	simm.s32 $0x200  }
.LBB2_1:
0x12: {  	[tilespmem:s1], [sflag:$0x1] =	stream.linear.gather [hbm4b:s7+s1], $0x200, $0x38;
	[tilespmem:$0x1600] =	vst v63  }
0x13: {  	_ = 	snop  }
0x14: {  	[tilespmem:s14], [sflag:$0x1] =	stream.linear.gather [hbm4b:s8+s1], $0x200, $0x38;
	[tilespmem:$0x1600] =	vst v63  }
0x15: {  	_ = 	snop  }
0x16: {  	[tilespmem:s15], [sflag:$0x1] =	stream.linear.gather [hbm4b:s9+s1], $0x200, $0x38;
	[tilespmem:$0x1600] =	vst v63  }
0x17: {  	_ =	swait.ge [sflag:s16], $0x200  }
0x18: {  	[sflag:s16] =	ssyncset.done $0x0  }
0x19: {  	[sflag:s16] =	ssyncadd.s32 $0xFFFFFE00  }
0x1a: {  	_ =	swait.ge [sflag:s16], $0x200  }
0x1b: {  	[sflag:s16] =	ssyncset.done $0x0  }
0x1c: {  	[sflag:s16] =	ssyncadd.s32 $0xFFFFFE00  }
0x1d: {  	_ =	swait.ge [sflag:s16], $0x200  }
0x1e: {  	[sflag:s16] =	ssyncset.done $0x0  }
0x1f: {  	s0 =	simm.s32 $0x600;
	[sflag:s16] =	ssyncadd.s32 $0xFFFFFE00  }
0x20: {  	[tilespmem:s0], [sflag:$0x1] =	stream.indirect.gather [hbm4b:s3+s14], $0x1, s1, s14, $0xb8;
	[tilespmem:$0x1600] =	vst v63  }
0x21: {  	s17 =	simm.s32 $0x800  }
0x22: {  	[tilespmem:s17], [sflag:$0x1] =	stream.indirect.gather [hbm4b:s3+s14], $0x1, s15, s14, $0xb8;
	[tilespmem:$0x1600] =	vst v63  }
0x23: {  	s18 =	simm.s32 $0xA00  }
0x24: {  	[tilespmem:s18], [sflag:$0x2] =	stream.indirect.gather [hbm4b:s4+s14], $0x1, s14, s14, $0xb8;
	[tilespmem:$0x1600] =	vst v63  }
0x25: {  	s19 =	simm.s32 $0xC00  }
0x26: {  	[tilespmem:s19], [sflag:$0x2] =	stream.indirect.gather [hbm4b:s5+s14], $0x1, s14, s14, $0xb8;
	[tilespmem:$0x1600] =	vst v63  }
0x27: {  	s20 =	simm.s32 $0xE00  }
0x28: {  	[tilespmem:s20], [sflag:$0x2] =	stream.indirect.gather [hbm4b:s6+s14], $0x1, s14, s14, $0xb8;
	[tilespmem:$0x1600] =	vst v63  }
0x29: {  	_ =	swait.ge [sflag:s16], $0x200  }
0x2a: {  	[sflag:s16] =	ssyncset.done $0x0  }
0x2b: {  	[sflag:s16] =	ssyncadd.s32 $0xFFFFFE00  }
0x2c: {  	_ =	swait.ge [sflag:s16], $0x200  }
0x2d: {  	[sflag:s16] =	ssyncset.done $0x0  }
0x2e: {  	s21 =	simm.s32 $0x820;
	[sflag:s16] =	ssyncadd.s32 $0xFFFFFE00  }
0x2f: {  	s28 =	simm.s32 $0x620;
	v0 =	vld [tilespmem:s21+$0xFFFFFFF0]  }
0x30: {  	v1 =	vld [tilespmem:s28+$0xFFFFFFE0]  }
0x31: {  	v2 =	vld [tilespmem:s21+$0x10];
	_ =	sdelay $0x1  }
0x32: {  	v3 =	vld [tilespmem:s28+$0xFFFFFFF0]  }
0x33: {  	v4 =	vld [tilespmem:s28+$0x10];
	v0 =	vsub.f32 $0.0e+00, v0  }
0x34: {  	v1 =	vsub.f32 $0.0e+00, v1  }
0x35: {  	v2 =	vsub.f32 $0.0e+00, v2;
	v0 =	vmul.f32 $1.442695020e+00, v0  }
0x36: {  	v5 =	vld [tilespmem:s21+$0x0];
	v1 =	vmul.f32 $1.442695020e+00, v1  }
0x37: {  	v6 =	vld [tilespmem:s28+$0x0];
	v3 =	vsub.f32 $0.0e+00, v3;
	v2 =	vmul.f32 $1.442695020e+00, v2;
	(erf) = vpow2.f32 v0  }
0x38: {  	v0 =	vsub.f32 $0.0e+00, v4;
	(erf) = vpow2.f32 v1  }
0x39: {  	v1 =	vmul.f32 $1.442695020e+00, v3;
	(erf) = vpow2.f32 v2;
	v2 =	vld [tilespmem:s21+$0xFFFFFFE0]  }
0x3a: {  	v0 =	vmul.f32 $1.442695020e+00, v0  }
0x3b: {  	v3 =	vsub.f32 $0.0e+00, v5;
	(erf) = vpow2.f32 v1  }
0x3c: {  	v1 =	vsub.f32 $0.0e+00, v6;
	(erf) = vpow2.f32 v0  }
0x3d: {  	v0 =	vmul.f32 $1.442695020e+00, v3  }
0x3e: {  	v1 =	vmul.f32 $1.442695020e+00, v1;
	v2 =	vsub.f32 $0.0e+00, v2  }
0x3f: {  	(erf) = vpow2.f32 v0  }
0x40: {  	(erf) = vpow2.f32 v1;
	v1 =	vmul.f32 $1.442695020e+00, v2  }
0x41: {  	v0 =	vpop (erf)  }
0x42: {  	v2 =	vpop (erf)  }
0x43: {  	s29 =	simm.s32 $0x660;
	v3 =	vpop (erf)  }
0x44: {  	s23 =	simm.s32 $0x860;
	v5 =	vld [tilespmem:s29+$0xFFFFFFE0];
	(erf) = vpow2.f32 v1;
	v3 =	vadd.f32 $1.000000000e+00, v3;
	v1 =	vpop (erf)  }
0x45: {  	v4 =	vld [tilespmem:s23+$0xFFFFFFF0];
	v2 =	vadd.f32 $1.000000000e+00, v2;
	v6 =	vpop (erf)  }
0x46: {  	v0 =	vadd.f32 $1.000000000e+00, v0;
	(erf) = vrcp.f32 v3;
	v3 =	vadd.f32 $1.000000000e+00, v6;
	_ =	sdelay $0x1  }
0x47: {  	v7 =	vld [tilespmem:s29+$0x10];
	(erf) = vrcp.f32 v0  }
0x48: {  	v5 =	vsub.f32 $0.0e+00, v5;
	v0 =	vld [tilespmem:s23+$0x10];
	(erf) = vrcp.f32 v2;
	v2 =	vpop (erf)  }
0x49: {  	v4 =	vsub.f32 $0.0e+00, v4;
	v6 =	vld [tilespmem:s29+$0xFFFFFFF0];
	(erf) = vrcp.f32 v3;
	v2 =	vadd.f32 $1.000000000e+00, v2;
	v3 =	vpop (erf)  }
0x4a: {  	v3 =	vadd.f32 $1.000000000e+00, v3  }
0x4b: {  	(erf) = vrcp.f32 v2;
	v2 =	vmul.f32 $1.442695020e+00, v4  }
0x4c: {  	v4 =	vmul.f32 $1.442695020e+00, v5;
	v5 =	vpop (erf);
	(erf) = vrcp.f32 v3  }
0x4d: {  	v0 =	vsub.f32 $0.0e+00, v0;
	v3 =	vld [tilespmem:s23+$0x0];
	(erf) = vpow2.f32 v2;
	v2 =	vadd.f32 $1.000000000e+00, v5  }
0x4e: {  	v7 =	vsub.f32 $0.0e+00, v7;
	v6 =	vsub.f32 $0.0e+00, v6  }
0x4f: {  	s20 =	simm.s32 $0x8A0;
	v0 =	vmul.f32 $1.442695020e+00, v0;
	v5 =	vpop (erf);
	(erf) = vpow2.f32 v4;
	v4 =	vld [tilespmem:s29+$0x0]  }
0x50: {  	s30 =	simm.s32 $0x6A0;
	v15 =	vld [tilespmem:s20+$0xFFFFFFF0];
	v6 =	vmul.f32 $1.442695020e+00, v6;
	v8 =	vpop (erf);
	(erf) = vrcp.f32 v2  }
0x51: {  	v18 =	vld [tilespmem:s30+$0xFFFFFFF0];
	v1 =	vadd.f32 $1.000000000e+00, v1;
	(erf) = vpow2.f32 v0;
	v2 =	vpop (erf)  }
0x52: {  	v0 =	vmul.f32 $1.442695020e+00, v7;
	(erf) = vpow2.f32 v6;
	v3 =	vsub.f32 $0.0e+00, v3;
	v6 =	vld [tilespmem:s23+$0xFFFFFFE0];
	v7 =	vpop (erf)  }
0x53: {  	v7 =	vadd.f32 $-5.000000000e-01, v7  }
0x54: {  	(erf) = vrcp.f32 v1;
	v1 =	vsub.f32 $0.0e+00, v4  }
0x55: {  	v17 =	vld [tilespmem:s30+$0x10];
	v15 =	vsub.f32 $0.0e+00, v15;
	(erf) = vpow2.f32 v0;
	v0 =	vmul.f32 $1.442695020e+00, v3  }
0x56: {  	v18 =	vsub.f32 $0.0e+00, v18;
	v3 =	vpop (erf);
	v4 =	vmul.f32 $8.000000000e+00, v7;
	v1 =	vmul.f32 $1.442695020e+00, v1  }
0x57: {  	v2 =	vadd.f32 $-5.000000000e-01, v2;
	v7 =	vpop (erf);
	(erf) = vpow2.f32 v0;
	v0 =	vsub.f32 $0.0e+00, v6  }
0x58: {  	v18 =	vmul.f32 $1.442695020e+00, v18;
	v5 =	vadd.f32 $-5.000000000e-01, v5;
	v9 =	vsub.f32 $0.0e+00, v4;
	v10 =	vpop (erf)  }
0x59: {  	v11 =	vmul.f32 $8.000000000e+00, v2;
	v2 =	vadd.f32 $-5.000000000e-01, v3;
	v6 =	vpop (erf);
	v0 =	vmul.f32 $1.442695020e+00, v0  }
0x5a: {  	v17 =	vsub.f32 $0.0e+00, v17;
	v9 =	vmul.f32 $1.442695020e+00, v9;
	(erf) = vpow2.f32 v1;
	v1 =	vpop (erf)  }
0x5b: {  	v5 =	vmul.f32 $8.000000000e+00, v5;
	v7 =	vadd.f32 $-5.000000000e-01, v7;
	v14 =	vmul.f32 $8.000000000e+00, v2;
	v3 =	vpop (erf)  }
0x5c: {  	v6 =	vadd.f32 $1.000000000e+00, v6;
	(erf) = vpow2.f32 v9;
	v3 =	vadd.f32 $1.000000000e+00, v3;
	v13 =	vpop (erf)  }
0x5d: {  	v9 =	vadd.f32 $1.000000000e+00, v10;
	v1 =	vadd.f32 $-5.000000000e-01, v1;
	(erf) = vpow2.f32 v0;
	v0 =	vpop (erf)  }
0x5e: {  	v8 =	vadd.f32 $-5.000000000e-01, v8;
	v12 =	vmul.f32 $8.000000000e+00, v7;
	v2 =	vpop (erf);
	(erf) = vrcp.f32 v3  }
0x5f: {  	v1 =	vmul.f32 $8.000000000e+00, v1;
	v2 =	vadd.f32 $1.000000000e+00, v2;
	(erf) = vrcp.f32 v9  }
0x60: {  	v8 =	vmul.f32 $8.000000000e+00, v8;
	v5 =	vsub.f32 $0.0e+00, v5;
	v7 =	vld [tilespmem:s30+$0xFFFFFFE0];
	(erf) = vrcp.f32 v6  }
0x61: {  	v9 =	vsub.f32 $0.0e+00, v12;
	v1 =	vsub.f32 $0.0e+00, v1;
	v6 =	vpop (erf);
	(erf) = vrcp.f32 v2  }
0x62: {  	v22 =	vmul.f32 $1.442695020e+00, v5;
	v16 =	vsub.f32 $0.0e+00, v11;
	v10 =	vld [tilespmem:s20+$0x10];
	v6 =	vadd.f32 $1.000000000e+00, v6  }
0x63: {  	v0 =	vadd.f32 $-5.000000000e-01, v0;
	v2 =	vmul.f32 $1.442695020e+00, v9;
	v1 =	vmul.f32 $1.442695020e+00, v1  }
0x64: {  	v62 =	vsub.f32 $0.0e+00, v8;
	v9 =	vmul.f32 $1.442695020e+00, v16;
	v16 =	vld [tilespmem:s30+$0x0];
	v19 =	vpop (erf);
	(erf) = vrcp.f32 v6  }
0x65: {  	v3 =	vld [tilespmem:s20+$0x0];
	v7 =	vsub.f32 $0.0e+00, v7;
	v0 =	vmul.f32 $8.000000000e+00, v0;
	v20 =	vpop (erf);
	(erf) = vpow2.f32 v1  }
0x66: {  	v19 =	vadd.f32 $1.000000000e+00, v19;
	v21 =	vpop (erf);
	(erf) = vpow2.f32 v9;
	v9 =	vmul.f32 $1.442695020e+00, v15  }
0x67: {  	v14 =	vsub.f32 $0.0e+00, v14;
	v10 =	vsub.f32 $0.0e+00, v10;
	(erf) = vpow2.f32 v2;
	v1 =	vpop (erf)  }
0x68: {  	v7 =	vmul.f32 $1.442695020e+00, v7;
	v5 =	vsub.f32 $0.0e+00, v0;
	(erf) = vrcp.f32 v19;
	v2 =	vpop (erf)  }
0x69: {  	v6 =	vld [tilespmem:s20+$0xFFFFFFE0];
	v15 =	vsub.f32 $0.0e+00, v16;
	v16 =	vmul.f32 $1.442695020e+00, v17;
	(erf) = vpow2.f32 v9;
	v17 =	vpop (erf)  }
0x6a: {  	v3 =	vsub.f32 $0.0e+00, v3;
	(erf) = vpow2.f32 v7;
	v7 =	vmul.f32 $1.442695020e+00, v14;
	v9 =	vpop (erf)  }
0x6b: {  	v10 =	vmul.f32 $1.442695020e+00, v10;
	v14 =	vadd.f32 $1.000000000e+00, v21;
	v9 =	vadd.f32 $-5.000000000e-01, v9  }
0x6c: {  	v5 =	vmul.f32 $1.442695020e+00, v5;
	v59 =	vadd.f32 $1.000000000e+00, v20;
	(erf) = vpow2.f32 v7  }
0x6d: {  	v61 =	vpop (erf);
	(erf) = vrcp.f32 v14;
	v60 =	vmul.f32 $8.000000000e+00, v9;
	v9 =	vadd.f32 $1.000000000e+00, v13  }
0x6e: {  	v3 =	vmul.f32 $1.442695020e+00, v3;
	v6 =	vsub.f32 $0.0e+00, v6;
	v13 =	vpop (erf);
	(erf) = vpow2.f32 v10  }
0x6f: {  	v15 =	vmul.f32 $1.442695020e+00, v15;
	v14 =	vadd.f32 $-5.000000000e-01, v17;
	(erf) = vrcp.f32 v59;
	v7 =	vpop (erf)  }
0x70: {  	v6 =	vmul.f32 $1.442695020e+00, v6;
	(erf) = vpow2.f32 v18;
	v17 =	vadd.f32 $1.000000000e+00, v7;
	v7 =	vpop (erf)  }
0x71: {  	v23 =	vmul.f32 $8.000000000e+00, v14;
	v10 =	vsub.f32 $0.0e+00, v60;
	(erf) = vrcp.f32 v9;
	v9 =	vpop (erf)  }
0x72: {  	v18 =	vmul.f32 $1.442695020e+00, v62;
	(erf) = vpow2.f32 v16;
	v63 =	vadd.f32 $-5.000000000e-01, v9  }
0x73: {  	[tilespmem:s28+$0xFFFFFFE0] =	vst v11;
	v16 =	vpop (erf);
	v9 =	vmul.f32 $1.442695020e+00, v10;
	(erf) = vpow2.f32 v5  }
0x74: {  	[tilespmem:s28+$0x10] =	vst v4;
	v10 =	vadd.f32 $-5.000000000e-01, v61;
	v4 =	vpop (erf);
	(erf) = vpow2.f32 v3;
	v3 =	vmul.f32 $8.000000000e+00, v63  }
0x75: {  	[tilespmem:s28+$0x0] =	vst v12;
	v5 =	vadd.f32 $1.000000000e+00, v13;
	v12 =	vadd.f32 $1.000000000e+00, v16;
	(erf) = vpow2.f32 v15;
	v11 =	vpop (erf)  }
0x76: {  	s2 =	simm.s32 $0x1260;
	s31 =	simm.s32 $0x1460;
	[tilespmem:s29+$0x10] =	vst v60;
	v8 =	vadd.f32 $1.000000000e+00, v4;
	v4 =	vmul.f32 $8.000000000e+00, v10;
	v14 =	vpop (erf);
	(erf) = vpow2.f32 v22  }
0x77: {  	s0 =	simm.s32 $0x12A0;
	s17 =	simm.s32 $0x1460;
	s18 =	simm.s32 $0x1420;
	[tilespmem:s29+$0xFFFFFFE0] =	vst v23;
	v11 =	vadd.f32 $1.000000000e+00, v11;
	v10 =	vsub.f32 $0.0e+00, v3;
	v13 =	vpop (erf);
	(erf) = vrcp.f32 v17  }
0x78: {  	s19 =	simm.s32 $0x1220;
	s21 =	simm.s32 $0x8;
	s23 =	simm.s32 $0x6E0;
	[tilespmem:s29+$0x0] =	vst v3;
	v15 =	vadd.f32 $1.000000000e+00, v13;
	v13 =	vsub.f32 $0.0e+00, v23;
	(erf) = vpow2.f32 v18;
	v3 =	vpop (erf)  }
.LBB2_2:
0x79: {  	v16 =	vld [tilespmem:s23+$0xFFFFFFE0];
	s21 =	sadd.s32 $0x4, s21;
	s20 =	sadd.s32 $0x40, s20;
	v17 =	vpop (erf);
	v14 =	vadd.f32 $-5.000000000e-01, v14;
	v10 =	vmul.f32 $1.442695020e+00, v10;
	s31 =	sadd.s32 $0x40, s31;
	(erf) = vpow2.f32 v9  }
0x7a: {  	v7 =	vadd.f32 $1.000000000e+00, v7;
	v9 =	vld [tilespmem:s20+$0x10];
	p0 =	slt.u32 s21, $0x1C;
	(erf) = vpow2.f32 v6;
	v6 =	vmul.f32 $1.442695020e+00, v13;
	v13 =	vpop (erf)  }
0x7b: {  	v18 =	vld [tilespmem:s20+$0xFFFFFFF0];
	v19 =	vpop (erf);
	(erf) = vrcp.f32 v15;
	v14 =	vmul.f32 $8.000000000e+00, v14  }
0x7c: {  	v15 =	vld [tilespmem:s20+$0x0];
	v19 =	vadd.f32 $1.000000000e+00, v19;
	v20 =	vpop (erf);
	(erf) = vrcp.f32 v7  }
0x7d: {  	v7 =	vld [tilespmem:s23+$0x0];
	(erf) = vrcp.f32 v12;
	v12 =	vpop (erf);
	v14 =	vsub.f32 $0.0e+00, v14;
	v20 =	vadd.f32 $1.000000000e+00, v20  }
0x7e: {  	v16 =	vsub.f32 $0.0e+00, v16;
	v21 =	vld [tilespmem:s23+$0x10];
	(erf) = vrcp.f32 v8;
	v8 =	vpop (erf)  }
0x7f: {  	v24 =	vadd.f32 $1.000000000e+00, v12;
	v22 =	vld [tilespmem:s23+$0xFFFFFFF0];
	v14 =	vmul.f32 $1.442695020e+00, v14;
	(erf) = vrcp.f32 v11;
	v11 =	vpop (erf)  }
0x80: {  	v8 =	vadd.f32 $1.000000000e+00, v8;
	v16 =	vmul.f32 $1.442695020e+00, v16;
	(erf) = vrcp.f32 v19;
	v19 =	vpop (erf)  }
0x81: {  	v11 =	vadd.f32 $1.000000000e+00, v11;
	v15 =	vsub.f32 $0.0e+00, v15;
	(erf) = vrcp.f32 v24;
	[tilespmem:s19+$0xFFFFFFE0] =	vst v19;
	v12 =	vpop (erf)  }
0x82: {  	v18 =	vsub.f32 $0.0e+00, v18;
	v19 =	vld [tilespmem:s20+$0xFFFFFFE0];
	v23 =	vpop (erf);
	v12 =	vadd.f32 $1.000000000e+00, v12;
	(erf) = vrcp.f32 v20  }
0x83: {  	v9 =	vsub.f32 $0.0e+00, v9;
	v15 =	vmul.f32 $1.442695020e+00, v15;
	v20 =	vpop (erf);
	(erf) = vpow2.f32 v14  }
0x84: {  	v14 =	vsub.f32 $0.0e+00, v22;
	v22 =	vadd.f32 $-5.000000000e-01, v1;
	v1 =	vpop (erf);
	(erf) = vrcp.f32 v5  }
0x85: {  	v24 =	vsub.f32 $0.0e+00, v21;
	v5 =	vmul.f32 $1.442695020e+00, v18;
	v21 =	vpop (erf);
	(erf) = vrcp.f32 v11  }
0x86: {  	v9 =	vmul.f32 $1.442695020e+00, v9;
	v7 =	vsub.f32 $0.0e+00, v7;
	v11 =	vpop (erf);
	[tilespmem:s19+$0x10] =	vst v3;
	(erf) = vrcp.f32 v12  }
0x87: {  	v12 =	vmul.f32 $1.442695020e+00, v24;
	v3 =	vsub.f32 $0.0e+00, v19;
	v18 =	vpop (erf);
	(erf) = vpow2.f32 v6;
	[tilespmem:s19+$0x0] =	vst v21  }
0x88: {  	v19 =	vmul.f32 $1.442695020e+00, v7;
	v7 =	vadd.f32 $1.000000000e+00, v23;
	(erf) = vpow2.f32 v10;
	v6 =	vpop (erf)  }
0x89: {  	v4 =	vsub.f32 $0.0e+00, v4;
	v10 =	vmul.f32 $8.000000000e+00, v22;
	(erf) = vrcp.f32 v8;
	v8 =	vpop (erf);
	[tilespmem:s18+$0x0] =	vst v6  }
0x8a: {  	v14 =	vmul.f32 $1.442695020e+00, v14;
	(erf) = vpow2.f32 v5;
	v5 =	vadd.f32 $-5.000000000e-01, v8;
	v8 =	vpop (erf)  }
0x8b: {  	v21 =	vmul.f32 $1.442695020e+00, v4;
	v6 =	vadd.f32 $-5.000000000e-01, v13;
	(erf) = vpow2.f32 v16;
	[tilespmem:s28+$0xFFFFFFF0] =	vst v0;
	v0 =	vpop (erf);
	s28 =	smov.u32 s29;
	s29 =	smov.u32 s30;
	s30 =	smov.u32 s23  }
0x8c: {  	v2 =	vadd.f32 $-5.000000000e-01, v2;
	v13 =	vadd.f32 $1.000000000e+00, v20;
	v5 =	vmul.f32 $8.000000000e+00, v5;
	v16 =	vpop (erf);
	[tilespmem:s19+$0xFFFFFFF0] =	vst v0;
	s19 =	smov.u32 s2;
	s2 =	smov.u32 s0  }
0x8d: {  	v0 =	vmul.f32 $8.000000000e+00, v6;
	v6 =	vsub.f32 $0.0e+00, v10;
	(erf) = vpow2.f32 v21;
	v4 =	vpop (erf)  }
0x8e: {  	v2 =	vmul.f32 $8.000000000e+00, v2;
	v10 =	vadd.f32 $1.000000000e+00, v17;
	(erf) = vrcp.f32 v13;
	[tilespmem:s18+$0xFFFFFFE0] =	vst v4;
	v4 =	vpop (erf)  }
0x8f: {  	v13 =	vmul.f32 $1.442695020e+00, v6;
	(erf) = vpow2.f32 v9;
	v9 =	vsub.f32 $0.0e+00, v5;
	[tilespmem:s18+$0x10] =	vst v4;
	v4 =	vpop (erf)  }
0x90: {  	v6 =	vmul.f32 $1.442695020e+00, v3;
	v3 =	vsub.f32 $0.0e+00, v0;
	v17 =	vpop (erf);
	(erf) = vrcp.f32 v7;
	[tilespmem:s18+$0xFFFFFFF0] =	vst v4;
	s18 =	smov.u32 s17;
	s17 =	smov.u32 s31  }
0x91: {  	v4 =	vadd.f32 $-5.000000000e-01, v18;
	(erf) = vpow2.f32 v14;
	[tilespmem:s29+$0x10] =	vst v5;
	v17 =	vadd.f32 $1.000000000e+00, v17;
	v7 =	vpop (erf)  }
0x92: {  	v3 =	vmul.f32 $1.442695020e+00, v3;
	v18 =	vsub.f32 $0.0e+00, v2;
	(erf) = vrcp.f32 v10;
	v5 =	vpop (erf)  }
0x93: {  	v9 =	vmul.f32 $1.442695020e+00, v9;
	v20 =	vpop (erf);
	(erf) = vpow2.f32 v12;
	v10 =	vadd.f32 $-5.000000000e-01, v5  }
0x94: {  	v21 =	vmul.f32 $8.000000000e+00, v4;
	v4 =	vadd.f32 $-5.000000000e-01, v8;
	v5 =	vpop (erf);
	(erf) = vpow2.f32 v3  }
.Ltmp0:
0x95: {  	v2 =	vmovc v11;
	v8 =	vadd.f32 $1.000000000e+00, v5;
	(erf) = vpow2.f32 v15;
	v3 =	vmul.f32 $8.000000000e+00, v10;
	(pc) =	sbr.rel @p0 .LBB2_2-.Ltmp0, $4  }
0x96: {  	v4 =	vmul.f32 $8.000000000e+00, v4;
	v5 =	vadd.f32 $1.000000000e+00, v16;
	(erf) = vpow2.f32 v19;
	[tilespmem:s29+$0xFFFFFFE0] =	vst v21;
	v11 =	vpop (erf)  }
0x97: {  	v16 =	vmul.f32 $1.442695020e+00, v18;
	[tilespmem:s29+$0x0] =	vst v3;
	v10 =	vsub.f32 $0.0e+00, v3;
	v14 =	vpop (erf);
	(erf) = vpow2.f32 v13  }
0x98: {  	v12 =	vadd.f32 $1.000000000e+00, v20;
	v11 =	vadd.f32 $1.000000000e+00, v11;
	v13 =	vpop (erf);
	(erf) = vrcp.f32 v17  }
0x99: {  	s23 =	sadd.s32 $0x40, s23;
	s0 =	sadd.s32 $0x40, s0;
	v15 =	vadd.f32 $1.000000000e+00, v13;
	v13 =	vsub.f32 $0.0e+00, v21;
	(erf) = vpow2.f32 v16;
	v3 =	vpop (erf)  }
0x9a: {  	v16 =	vpop (erf);
	(erf) = vpow2.f32 v9;
	v9 =	vadd.f32 $-5.000000000e-01, v14  }
0x9b: {  	v7 =	vadd.f32 $1.000000000e+00, v7;
	(erf) = vpow2.f32 v6;
	v6 =	vpop (erf)  }
0x9c: {  	v14 =	vpop (erf);
	(erf) = vrcp.f32 v15  }
0x9d: {  	v15 =	vpop (erf);
	(erf) = vrcp.f32 v7  }
0x9e: {  	v7 =	vmul.f32 $8.000000000e+00, v9;
	(erf) = vrcp.f32 v12;
	v9 =	vpop (erf);
	v12 =	vadd.f32 $1.000000000e+00, v14  }
0x9f: {  	v9 =	vadd.f32 $1.000000000e+00, v9  }
0xa0: {  	(erf) = vrcp.f32 v8;
	v8 =	vpop (erf)  }
0xa1: {  	v7 =	vsub.f32 $0.0e+00, v7;
	(erf) = vrcp.f32 v11;
	v11 =	vpop (erf)  }
0xa2: {  	v14 =	vadd.f32 $1.000000000e+00, v15;
	(erf) = vrcp.f32 v12;
	v12 =	vpop (erf)  }
0xa3: {  	v7 =	vmul.f32 $1.442695020e+00, v7;
	(erf) = vrcp.f32 v9;
	v9 =	vpop (erf)  }
0xa4: {  	v15 =	vpop (erf);
	(erf) = vrcp.f32 v14  }
0xa5: {  	v11 =	vadd.f32 $1.000000000e+00, v11;
	(erf) = vpow2.f32 v7  }
0xa6: {  	v14 =	vpop (erf);
	v7 =	vadd.f32 $1.000000000e+00, v9;
	(erf) = vrcp.f32 v5  }
0xa7: {  	v9 =	vpop (erf);
	v5 =	vmul.f32 $1.442695020e+00, v13;
	(erf) = vrcp.f32 v11  }
0xa8: {  	v4 =	vsub.f32 $0.0e+00, v4;
	v13 =	vpop (erf);
	(erf) = vrcp.f32 v7;
	v7 =	vadd.f32 $1.000000000e+00, v8  }
0xa9: {  	v10 =	vmul.f32 $1.442695020e+00, v10;
	v11 =	vpop (erf)  }
0xaa: {  	v6 =	vadd.f32 $-5.000000000e-01, v6;
	v4 =	vmul.f32 $1.442695020e+00, v4;
	v8 =	vpop (erf);
	(erf) = vpow2.f32 v5  }
0xab: {  	(erf) = vpow2.f32 v10;
	v5 =	vpop (erf);
	v10 =	vadd.f32 $1.000000000e+00, v14;
	v14 =	vadd.f32 $-5.000000000e-01, v1  }
0xac: {  	v1 =	vmul.f32 $8.000000000e+00, v6;
	(erf) = vrcp.f32 v7;
	v7 =	vpop (erf)  }
0xad: {  	v2 =	vadd.f32 $-5.000000000e-01, v2;
	v17 =	vpop (erf)  }
0xae: {  	v6 =	vadd.f32 $1.000000000e+00, v15;
	v15 =	vsub.f32 $0.0e+00, v1;
	(erf) = vpow2.f32 v4;
	v4 =	vpop (erf)  }
0xaf: {  	(erf) = vrcp.f32 v10;
	v10 =	vmul.f32 $8.000000000e+00, v14;
	v14 =	vpop (erf)  }
0xb0: {  	v16 =	vadd.f32 $1.000000000e+00, v16;
	v2 =	vmul.f32 $8.000000000e+00, v2;
	v18 =	vpop (erf)  }
0xb1: {  	(erf) = vrcp.f32 v6;
	v6 =	vmul.f32 $1.442695020e+00, v15;
	v10 =	vsub.f32 $0.0e+00, v10;
	v19 =	vpop (erf)  }
0xb2: {  	v2 =	vsub.f32 $0.0e+00, v2;
	v15 =	vpop (erf);
	(erf) = vrcp.f32 v16  }
0xb3: {  	v10 =	vmul.f32 $1.442695020e+00, v10;
	v30 =	vpop (erf);
	(erf) = vpow2.f32 v6;
	v6 =	vadd.f32 $-5.000000000e-01, v7  }
0xb4: {  	v2 =	vmul.f32 $1.442695020e+00, v2;
	v7 =	vadd.f32 $1.000000000e+00, v30  }
0xb5: {  	v31 =	vpop (erf);
	(erf) = vpow2.f32 v10;
	v6 =	vmul.f32 $8.000000000e+00, v6  }
0xb6: {  	v20 =	vpop (erf);
	(erf) = vrcp.f32 v7  }
0xb7: {  	v10 =	vpop (erf);
	(erf) = vpow2.f32 v2;
	v2 =	vsub.f32 $0.0e+00, v6  }
0xb8: {  	v7 =	vpop (erf)  }
0xb9: {  	v7 =	vadd.f32 $-5.000000000e-01, v7;
	v2 =	vmul.f32 $1.442695020e+00, v2;
	_ =	sdelay $0x1  }
0xba: {  	v10 =	vadd.f32 $1.000000000e+00, v10;
	v21 =	vpop (erf);
	v7 =	vmul.f32 $8.000000000e+00, v7  }
0xbb: {  	v8 =	vadd.f32 $-5.000000000e-01, v8;
	v16 =	vadd.f32 $1.000000000e+00, v31;
	v22 =	vpop (erf)  }
0xbc: {  	(erf) = vpow2.f32 v2;
	v2 =	vpop (erf);
	v7 =	vsub.f32 $0.0e+00, v7  }
0xbd: {  	v8 =	vmul.f32 $8.000000000e+00, v8;
	(erf) = vrcp.f32 v16;
	v2 =	vadd.f32 $1.000000000e+00, v2  }
0xbe: {  	(erf) = vrcp.f32 v10;
	v10 =	vpop (erf);
	v7 =	vmul.f32 $1.442695020e+00, v7  }
0xbf: {  	v14 =	vadd.f32 $1.000000000e+00, v14;
	v32 =	vpop (erf);
	(erf) = vrcp.f32 v2  }
0xc0: {  	v10 =	vadd.f32 $1.000000000e+00, v10;
	v2 =	vsub.f32 $0.0e+00, v8;
	v23 =	vpop (erf);
	(erf) = vpow2.f32 v7  }
0xc1: {  	v7 =	vadd.f32 $1.000000000e+00, v23;
	(erf) = vrcp.f32 v14  }
0xc2: {  	v2 =	vmul.f32 $1.442695020e+00, v2;
	(erf) = vrcp.f32 v10;
	v10 =	vadd.f32 $-5.000000000e-01, v20  }
0xc3: {  	(erf) = vrcp.f32 v7;
	v7 =	vadd.f32 $-5.000000000e-01, v17  }
0xc4: {  	(erf) = vpow2.f32 v2;
	v2 =	vmul.f32 $8.000000000e+00, v10  }
0xc5: {  	v7 =	vmul.f32 $8.000000000e+00, v7  }
0xc6: {  	v10 =	vpop (erf);
	v34 =	vsub.f32 $0.0e+00, v2  }
0xc7: {  	v33 =	vadd.f32 $-5.000000000e-01, v22;
	v14 =	vpop (erf);
	v7 =	vsub.f32 $0.0e+00, v7  }
0xc8: {  	v9 =	vadd.f32 $-5.000000000e-01, v9;
	v11 =	vadd.f32 $-5.000000000e-01, v11;
	v35 =	vpop (erf);
	v20 =	vmul.f32 $1.442695020e+00, v34  }
0xc9: {  	v17 =	vmul.f32 $8.000000000e+00, v33;
	v36 =	vpop (erf);
	v7 =	vmul.f32 $1.442695020e+00, v7  }
0xca: {  	v9 =	vmul.f32 $8.000000000e+00, v9;
	v24 =	vpop (erf);
	(erf) = vpow2.f32 v20  }
0xcb: {  	[tilespmem:s19+$0xFFFFFFE0] =	vst v12;
	v25 =	vsub.f32 $0.0e+00, v17;
	v12 =	vpop (erf);
	(erf) = vpow2.f32 v7  }
0xcc: {  	[tilespmem:s19+$0x10] =	vst v3;
	v3 =	vsub.f32 $0.0e+00, v9;
	v9 =	vmul.f32 $8.000000000e+00, v11;
	v10 =	vadd.f32 $1.000000000e+00, v10;
	v11 =	vpop (erf)  }
0xcd: {  	[tilespmem:s19+$0x0] =	vst v13;
	v13 =	vmul.f32 $1.442695020e+00, v25;
	v7 =	vpop (erf)  }
0xce: {  	[tilespmem:s18+$0x0] =	vst v5;
	v3 =	vmul.f32 $1.442695020e+00, v3;
	v9 =	vsub.f32 $0.0e+00, v9;
	(erf) = vrcp.f32 v10;
	v5 =	vpop (erf)  }
0xcf: {  	[tilespmem:s28+$0xFFFFFFF0] =	vst v0;
	(erf) = vpow2.f32 v13;
	v0 =	vadd.f32 $1.000000000e+00, v5  }
0xd0: {  	[tilespmem:s19+$0xFFFFFFF0] =	vst v4;
	v4 =	vmul.f32 $1.442695020e+00, v9;
	(erf) = vpow2.f32 v3  }
0xd1: {  	[tilespmem:s29+$0xFFFFFFF0] =	vst v1;
	(erf) = vrcp.f32 v0  }
0xd2: {  	[tilespmem:s30+$0xFFFFFFE0] =	vst v8;
	(erf) = vpow2.f32 v4  }
0xd3: {  	[tilespmem:s18+$0xFFFFFFE0] =	vst v18;
	v0 =	vpop (erf)  }
0xd4: {  	[tilespmem:s30+$0x0] =	vst v2;
	v2 =	vpop (erf)  }
0xd5: {  	[tilespmem:s18+$0x10] =	vst v19;
	v2 =	vadd.f32 $1.000000000e+00, v2  }
0xd6: {  	[tilespmem:s18+$0xFFFFFFF0] =	vst v15;
	v0 =	vadd.f32 $1.000000000e+00, v0  }
0xd7: {  	[tilespmem:s30+$0x10] =	vst v6;
	v3 =	vpop (erf)  }
0xd8: {  	[tilespmem:s2+$0x10] =	vst v21;
	v4 =	vpop (erf);
	(erf) = vrcp.f32 v0  }
0xd9: {  	[tilespmem:s2+$0xFFFFFFE0] =	vst v32;
	v0 =	vadd.f32 $1.000000000e+00, v4;
	(erf) = vrcp.f32 v2;
	v2 =	vpop (erf)  }
0xda: {  	[tilespmem:s30+$0xFFFFFFF0] =	vst v17;
	v4 =	vadd.f32 $1.000000000e+00, v24;
	v5 =	vpop (erf)  }
0xdb: {  	[tilespmem:s2+$0x0] =	vst v14;
	(erf) = vrcp.f32 v0;
	v1 =	vadd.f32 $1.000000000e+00, v2;
	v2 =	vpop (erf)  }
0xdc: {  	[tilespmem:s17+$0x0] =	vst v35;
	(erf) = vrcp.f32 v4;
	v0 =	vadd.f32 $1.000000000e+00, v2  }
0xdd: {  	[tilespmem:s2+$0xFFFFFFF0] =	vst v36;
	(erf) = vrcp.f32 v1  }
0xde: {  	[tilespmem:s17+$0xFFFFFFE0] =	vst v12;
	(erf) = vrcp.f32 v0  }
0xdf: {  	[tilespmem:s17+$0x10] =	vst v11  }
0xe0: {  	[tilespmem:s17+$0xFFFFFFF0] =	vst v7  }
0xe1: {  	[tilespmem:s0+$0x10] =	vst v3  }
0xe2: {  	[tilespmem:s0+$0xFFFFFFE0] =	vst v5;
	v0 =	vpop (erf)  }
0xe3: {  	s23 =	sadd.s32 $0x40, s31;
	[tilespmem:s0+$0x0] =	vst v0;
	v0 =	vpop (erf)  }
0xe4: {  	[tilespmem:s23+$0x0] =	vst v0;
	v0 =	vpop (erf)  }
0xe5: {  	[tilespmem:s0+$0xFFFFFFF0] =	vst v0;
	v0 =	vpop (erf)  }
0xe6: {  	[tilespmem:s23+$0xFFFFFFE0] =	vst v0;
	v0 =	vpop (erf)  }
0xe7: {  	[tilespmem:s23+$0x10] =	vst v0;
	v0 =	vpop (erf)  }
0xe8: {  	[tilespmem:s23+$0xFFFFFFF0] =	vst v0  }
0xe9: {  	_ =	swait.ge [sflag:s22], $0x200  }
0xea: {  	[sflag:s22] =	ssyncset.done $0x0  }
0xeb: {  	[sflag:s22] =	ssyncadd.s32 $0xFFFFFE00  }
0xec: {  	_ =	swait.ge [sflag:s22], $0x200  }
0xed: {  	[sflag:s22] =	ssyncset.done $0x0  }
0xee: {  	[sflag:s22] =	ssyncadd.s32 $0xFFFFFE00  }
0xef: {  	_ =	swait.ge [sflag:s22], $0x200  }
0xf0: {  	[sflag:s22] =	ssyncset.done $0x0  }
0xf1: {  	s30 =	simm.s32 $0xC20;
	[sflag:s22] =	ssyncadd.s32 $0xFFFFFE00  }
0xf2: {  	v0 =	vld [tilespmem:s30+$0xFFFFFFE0]  }
0xf3: {  	s31 =	simm.s32 $0xA20  }
0xf4: {  	v1 =	vld [tilespmem:s31+$0x0]  }
0xf5: {  	v2 =	vld [tilespmem:s30+$0x10]  }
0xf6: {  	v3 =	vld [tilespmem:s31+$0x10]  }
0xf7: {  	v4 =	vld [tilespmem:s31+$0xFFFFFFE0];
	v0 =	vsub.f32 $0.0e+00, v0;
	_ =	sdelay $0x1  }
0xf8: {  	v1 =	vsub.f32 $0.0e+00, v1;
	v0 =	vmul.f32 $1.442695020e+00, v0  }
0xf9: {  	v5 =	vld [tilespmem:s30+$0xFFFFFFF0];
	v2 =	vsub.f32 $0.0e+00, v2  }
0xfa: {  	v1 =	vmul.f32 $1.442695020e+00, v1;
	(erf) = vpow2.f32 v0;
	v0 =	vsub.f32 $0.0e+00, v3;
	v3 =	vld [tilespmem:s30+$0x0]  }
0xfb: {  	v4 =	vsub.f32 $0.0e+00, v4  }
0xfc: {  	s17 =	simm.s32 $0xE20;
	v2 =	vmul.f32 $1.442695020e+00, v2;
	(erf) = vpow2.f32 v1  }
0xfd: {  	v1 =	vmul.f32 $1.442695020e+00, v4;
	v4 =	vld [tilespmem:s17+$0xFFFFFFE0];
	v0 =	vmul.f32 $1.442695020e+00, v0  }
0xfe: {  	(erf) = vpow2.f32 v2  }
0xff: {  	v2 =	vsub.f32 $0.0e+00, v5;
	(erf) = vpow2.f32 v0;
	v3 =	vsub.f32 $0.0e+00, v3  }
0x100: {  	(erf) = vpow2.f32 v1  }
0x101: {  	v0 =	vld [tilespmem:s17+$0x10];
	v2 =	vmul.f32 $1.442695020e+00, v2;
	v3 =	vmul.f32 $1.442695020e+00, v3  }
0x102: {  	v1 =	vld [tilespmem:s31+$0xFFFFFFF0];
	v4 =	vsub.f32 $0.0e+00, v4  }
0x103: {  	(erf) = vpow2.f32 v2;
	v5 =	vpop (erf)  }
0x104: {  	v4 =	vmul.f32 $1.442695020e+00, v4;
	v2 =	vadd.f32 $1.000000000e+00, v5  }
0x105: {  	(erf) = vpow2.f32 v3;
	v3 =	vpop (erf)  }
0x106: {  	v0 =	vsub.f32 $0.0e+00, v0;
	(erf) = vrcp.f32 v2;
	v2 =	vadd.f32 $1.000000000e+00, v3  }
0x107: {  	v1 =	vsub.f32 $0.0e+00, v1;
	v3 =	vpop (erf);
	(erf) = vpow2.f32 v4  }
0x108: {  	v0 =	vmul.f32 $1.442695020e+00, v0;
	v4 =	vpop (erf);
	(erf) = vrcp.f32 v2;
	v2 =	vadd.f32 $1.000000000e+00, v3  }
0x109: {  	v1 =	vmul.f32 $1.442695020e+00, v1;
	v3 =	vpop (erf)  }
0x10a: {  	(erf) = vpow2.f32 v0;
	v3 =	vadd.f32 $1.000000000e+00, v3  }
0x10b: {  	v0 =	vld [tilespmem:s17+$0xFFFFFFF0];
	(erf) = vpow2.f32 v1  }
0x10c: {  	v1 =	vld [tilespmem:s17+$0x0];
	(erf) = vrcp.f32 v2;
	v2 =	vpop (erf)  }
0x10d: {  	s18 =	simm.s32 $0xC60;
	v2 =	vadd.f32 $1.000000000e+00, v2  }
0x10e: {  	v5 =	vld [tilespmem:s18+$0xFFFFFFE0];
	v4 =	vadd.f32 $1.000000000e+00, v4;
	(erf) = vrcp.f32 v3;
	v3 =	vpop (erf)  }
0x10f: {  	s19 =	simm.s32 $0xA60;
	(erf) = vrcp.f32 v2;
	v2 =	vadd.f32 $1.000000000e+00, v3  }
0x110: {  	v7 =	vld [tilespmem:s19+$0x0];
	v0 =	vsub.f32 $0.0e+00, v0;
	v6 =	vpop (erf)  }
0x111: {  	v8 =	vld [tilespmem:s18+$0x10];
	v1 =	vsub.f32 $0.0e+00, v1;
	v3 =	vpop (erf)  }
0x112: {  	v9 =	vld [tilespmem:s19+$0x10];
	v0 =	vmul.f32 $1.442695020e+00, v0;
	(erf) = vrcp.f32 v4;
	v4 =	vpop (erf)  }
0x113: {  	v5 =	vsub.f32 $0.0e+00, v5;
	v1 =	vmul.f32 $1.442695020e+00, v1;
	(erf) = vrcp.f32 v2;
	v2 =	vpop (erf)  }
0x114: {  	(erf) = vpow2.f32 v0;
	v2 =	vadd.f32 $1.000000000e+00, v2  }
0x115: {  	v11 =	vld [tilespmem:s19+$0xFFFFFFE0];
	v5 =	vmul.f32 $1.442695020e+00, v5;
	(erf) = vpow2.f32 v1  }
0x116: {  	v7 =	vsub.f32 $0.0e+00, v7;
	v8 =	vsub.f32 $0.0e+00, v8;
	v0 =	vpop (erf);
	(erf) = vrcp.f32 v2;
	v2 =	vld [tilespmem:s18+$0x0]  }
0x117: {  	v9 =	vsub.f32 $0.0e+00, v9;
	v1 =	vpop (erf);
	v0 =	vadd.f32 $1.000000000e+00, v0;
	(erf) = vpow2.f32 v5  }
0x118: {  	v7 =	vmul.f32 $1.442695020e+00, v7;
	v8 =	vmul.f32 $1.442695020e+00, v8  }
0x119: {  	v9 =	vmul.f32 $1.442695020e+00, v9;
	v4 =	vmul.f32 $3.000000000e+00, v4;
	v10 =	vpop (erf)  }
0x11a: {  	s20 =	simm.s32 $0xE60;
	v1 =	vadd.f32 $-5.000000000e-01, v1;
	v5 =	vadd.f32 $-5.000000000e-01, v6;
	v6 =	vld [tilespmem:s18+$0xFFFFFFF0];
	v12 =	vpop (erf);
	(erf) = vrcp.f32 v0  }
0x11b: {  	v13 =	vld [tilespmem:s20+$0x10];
	v0 =	vpop (erf);
	(erf) = vpow2.f32 v7;
	v7 =	vsub.f32 $0.0e+00, v11;
	v2 =	vsub.f32 $0.0e+00, v2  }
0x11c: {  	v10 =	vmul.f32 $3.000000000e+00, v10;
	v1 =	vmul.f32 $8.000000000e+00, v1;
	v14 =	vpop (erf)  }
0x11d: {  	s21 =	simm.s32 $0x620;
	v11 =	vld [tilespmem:s20+$0xFFFFFFE0];
	(erf) = vpow2.f32 v8;
	v15 =	vpop (erf);
	v7 =	vmul.f32 $1.442695020e+00, v7  }
0x11e: {  	v37 =	vld [tilespmem:s21+$0x10];
	v12 =	vadd.f32 $-5.000000000e-01, v12;
	v5 =	vmul.f32 $8.000000000e+00, v5;
	(erf) = vpow2.f32 v9;
	v8 =	vpop (erf)  }
0x11f: {  	v6 =	vsub.f32 $0.0e+00, v6;
	v38 =	vmul.f32 $1.442695020e+00, v2;
	(erf) = vpow2.f32 v7;
	v7 =	vld [tilespmem:s19+$0xFFFFFFF0];
	v2 =	vpop (erf)  }
0x120: {  	v0 =	vmul.f32 $3.000000000e+00, v0;
	v9 =	vsub.f32 $0.0e+00, v13;
	v13 =	vadd.f32 $-5.000000000e-01, v14;
	v14 =	vpop (erf)  }
0x121: {  	v10 =	vmul.f32 $-1.702000020e+00, v10;
	v6 =	vmul.f32 $1.442695020e+00, v6;
	v14 =	vadd.f32 $1.000000000e+00, v14  }
0x122: {  	v12 =	vmul.f32 $8.000000000e+00, v12;
	v0 =	vmul.f32 $-1.702000020e+00, v0;
	v11 =	vsub.f32 $0.0e+00, v11  }
0x123: {  	v1 =	vsub.f32 v37, v1;
	v13 =	vmul.f32 $8.000000000e+00, v13;
	(erf) = vpow2.f32 v6;
	v6 =	vld [tilespmem:s21+$0xFFFFFFE0]  }
0x124: {  	v11 =	vmul.f32 $1.442695020e+00, v11;
	v39 =	vpop (erf);
	(erf) = vpow2.f32 v38;
	v7 =	vsub.f32 $0.0e+00, v7  }
0x125: {  	v3 =	vadd.f32 $1.000000000e+00, v3;
	v0 =	vmul.f32 v1, v0;
	(erf) = vrcp.f32 v14;
	v14 =	vpop (erf)  }
0x126: {  	v9 =	vmul.f32 $1.442695020e+00, v9;
	(erf) = vpow2.f32 v11;
	v11 =	vld [tilespmem:s21+$0x0];
	v1 =	vadd.f32 $1.000000000e+00, v14  }
0x127: {  	v0 =	vmul.f32 $1.442695020e+00, v0;
	(erf) = vrcp.f32 v3;
	v3 =	vld [tilespmem:s21+$0xFFFFFFF0];
	v14 =	vpop (erf)  }
0x128: {  	(erf) = vrcp.f32 v1;
	v1 =	vsub.f32 v6, v5;
	v5 =	vmul.f32 $1.442695020e+00, v7;
	v6 =	vld [tilespmem:s20+$0xFFFFFFF0];
	v7 =	vpop (erf)  }
0x129: {  	s23 =	simm.s32 $0xCA0;
	v16 =	vmul.f32 $3.000000000e+00, v39;
	(erf) = vpow2.f32 v9;
	v9 =	vadd.f32 $1.000000000e+00, v14;
	v14 =	vpop (erf)  }
0x12a: {  	v41 =	vld [tilespmem:s23+$0xFFFFFFF0];
	(erf) = vpow2.f32 v0;
	v1 =	vmul.f32 v1, v10;
	v10 =	vadd.f32 $1.000000000e+00, v14  }
0x12b: {  	s2 =	simm.s32 $0xEA0;
	v4 =	vmul.f32 $-1.702000020e+00, v4;
	(erf) = vpow2.f32 v5;
	v5 =	vsub.f32 v11, v13  }
0x12c: {  	v44 =	vld [tilespmem:s2+$0x10];
	v3 =	vsub.f32 v3, v12;
	v11 =	vmul.f32 $-1.702000020e+00, v16  }
0x12d: {  	v0 =	vld [tilespmem:s20+$0x0];
	v13 =	vpop (erf);
	(erf) = vrcp.f32 v9;
	v5 =	vmul.f32 v5, v4;
	v4 =	vsub.f32 $0.0e+00, v6  }
0x12e: {  	v54 =	vld [tilespmem:s2+$0xFFFFFFE0];
	v9 =	vadd.f32 $1.000000000e+00, v13;
	(erf) = vrcp.f32 v10;
	v6 =	vadd.f32 $1.000000000e+00, v7;
	v10 =	vpop (erf)  }
0x12f: {  	v17 =	vsub.f32 $0.0e+00, v41;
	v7 =	vpop (erf)  }
0x130: {  	s30 =	simm.s32 $0xAA0;
	v3 =	vmul.f32 v3, v11;
	v10 =	vadd.f32 $1.000000000e+00, v10;
	(erf) = vrcp.f32 v9;
	v11 =	vpop (erf)  }
0x131: {  	v19 =	vsub.f32 $0.0e+00, v44;
	v13 =	vld [tilespmem:s30+$0x0];
	v9 =	vmul.f32 $1.442695020e+00, v4;
	(erf) = vrcp.f32 v6;
	v4 =	vpop (erf)  }
0x132: {  	v0 =	vsub.f32 $0.0e+00, v0;
	v3 =	vmul.f32 $1.442695020e+00, v3;
	v6 =	vpop (erf);
	(erf) = vrcp.f32 v10;
	v10 =	vld [tilespmem:s23+$0xFFFFFFE0]  }
0x133: {  	v58 =	vsub.f32 $0.0e+00, v54;
	v17 =	vmul.f32 $1.442695020e+00, v17;
	v19 =	vmul.f32 $1.442695020e+00, v19  }
0x134: {  	v8 =	vadd.f32 $1.000000000e+00, v8;
	v0 =	vmul.f32 $1.442695020e+00, v0;
	(erf) = vpow2.f32 v9  }
0x135: {  	v12 =	vadd.f32 $1.000000000e+00, v15;
	v5 =	vmul.f32 $1.442695020e+00, v5;
	v9 =	vpop (erf);
	(erf) = vpow2.f32 v3  }
0x136: {  	v13 =	vsub.f32 $0.0e+00, v13;
	v3 =	vpop (erf);
	(erf) = vpow2.f32 v0;
	v0 =	vmul.f32 $1.442695020e+00, v1  }
0x137: {  	v6 =	vmul.f32 $3.000000000e+00, v6;
	v14 =	vpop (erf);
	(erf) = vpow2.f32 v5;
	v10 =	vsub.f32 $0.0e+00, v10  }
0x138: {  	v9 =	vadd.f32 $1.000000000e+00, v9;
	v1 =	vadd.f32 $-5.000000000e-01, v7;
	v7 =	vld [tilespmem:s30+$0xFFFFFFE0];
	v15 =	vpop (erf);
	(erf) = vpow2.f32 v0  }
0x139: {  	v3 =	vadd.f32 $1.000000000e+00, v3;
	v5 =	vld [tilespmem:s23+$0x10];
	v40 =	vpop (erf);
	(erf) = vrcp.f32 v12;
	v10 =	vmul.f32 $1.442695020e+00, v10  }
0x13a: {  	v53 =	vsub.f32 $1.000000000e+00, v2;
	v6 =	vmul.f32 $-1.702000020e+00, v6;
	v0 =	vld [tilespmem:s30+$0x10];
	v42 =	vpop (erf);
	(erf) = vrcp.f32 v9  }
0x13b: {  	v15 =	vadd.f32 $-5.000000000e-01, v15;
	v16 =	vmul.f32 $3.000000000e+00, v40;
	v43 =	vpop (erf);
	(erf) = vrcp.f32 v3  }
0x13c: {  	v14 =	vadd.f32 $1.000000000e+00, v14;
	v3 =	vmul.f32 $1.442695020e+00, v13;
	v13 =	vpop (erf);
	(erf) = vpow2.f32 v10  }
0x13d: {  	s31 =	simm.s32 $0x660;
	v1 =	vmul.f32 $8.000000000e+00, v1;
	v12 =	vld [tilespmem:s23+$0x0];
	v15 =	vmul.f32 $8.000000000e+00, v15;
	v9 =	vadd.f32 $-5.000000000e-01, v42;
	v10 =	vpop (erf)  }
0x13e: {  	v46 =	vld [tilespmem:s31+$0xFFFFFFE0];
	v7 =	vsub.f32 $0.0e+00, v7;
	v18 =	vmul.f32 $3.000000000e+00, v43;
	v16 =	vmul.f32 $-1.702000020e+00, v16;
	v47 =	vpop (erf)  }
0x13f: {  	v50 =	vld [tilespmem:s31+$0x10];
	v5 =	vsub.f32 $0.0e+00, v5;
	v9 =	vmul.f32 $8.000000000e+00, v9;
	v0 =	vsub.f32 $0.0e+00, v0;
	v48 =	vpop (erf)  }
0x140: {  	(erf) = vrcp.f32 v14;
	v7 =	vmul.f32 $1.442695020e+00, v7;
	v22 =	vadd.f32 $1.000000000e+00, v47;
	v26 =	vpop (erf)  }
0x141: {  	v52 =	vld [tilespmem:s2+$0x0];
	v13 =	vadd.f32 $-5.000000000e-01, v13;
	v5 =	vmul.f32 $1.442695020e+00, v5;
	v14 =	vpop (erf);
	(erf) = vrcp.f32 v8  }
0x142: {  	v51 =	vld [tilespmem:s31+$0x0];
	v12 =	vsub.f32 $0.0e+00, v12;
	v49 =	vmul.f32 $1.442695020e+00, v0;
	v27 =	vpop (erf);
	(erf) = vrcp.f32 v22  }
0x143: {  	v1 =	vsub.f32 v46, v1;
	v13 =	vmul.f32 $8.000000000e+00, v13;
	v0 =	vpop (erf);
	(erf) = vpow2.f32 v3  }
0x144: {  	v45 =	vld [tilespmem:s30+$0xFFFFFFF0];
	v15 =	vsub.f32 v50, v15;
	v12 =	vmul.f32 $1.442695020e+00, v12;
	v28 =	vpop (erf);
	(erf) = vpow2.f32 v5  }
0x145: {  	v55 =	vadd.f32 $1.000000000e+00, v26;
	v5 =	vmul.f32 $-1.702000020e+00, v18;
	v3 =	vpop (erf);
	(erf) = vpow2.f32 v49  }
0x146: {  	v56 =	vadd.f32 $1.000000000e+00, v3;
	v3 =	vmul.f32 v1, v16;
	(erf) = vpow2.f32 v7  }
0x147: {  	v1 =	vsub.f32 v51, v13;
	v13 =	vsub.f32 $0.0e+00, v52;
	(erf) = vrcp.f32 v55  }
0x148: {  	v14 =	vadd.f32 $1.000000000e+00, v14;
	v15 =	vmul.f32 v15, v5;
	(erf) = vpow2.f32 v17  }
0x149: {  	v61 =	vld [tilespmem:s31+$0xFFFFFFF0];
	v8 =	vsub.f32 $0.0e+00, v45;
	v57 =	vpop (erf);
	v5 =	vmul.f32 $1.442695020e+00, v13;
	v13 =	vmul.f32 $1.442695020e+00, v58  }
0x14a: {  	v11 =	vadd.f32 $1.000000000e+00, v11;
	v7 =	vmul.f32 v28, v53;
	(erf) = vrcp.f32 v14;
	v59 =	vpop (erf)  }
0x14b: {  	v8 =	vmul.f32 $1.442695020e+00, v8;
	v14 =	vsub.f32 $1.000000000e+00, v27;
	(erf) = vpow2.f32 v12;
	v12 =	vpop (erf)  }
0x14c: {  	v16 =	vmul.f32 $3.000000000e+00, v57;
	v2 =	vadd.f32 v7, v2;
	v7 =	vld [tilespmem:s2+$0xFFFFFFF0];
	(erf) = vrcp.f32 v56;
	v60 =	vpop (erf)  }
0x14d: {  	v15 =	vmul.f32 $1.442695020e+00, v15;
	(erf) = vpow2.f32 v13;
	v18 =	vadd.f32 $1.000000000e+00, v60;
	v13 =	vpop (erf)  }
0x14e: {  	v9 =	vsub.f32 v61, v9;
	v6 =	vmul.f32 v1, v6;
	v62 =	vpop (erf);
	(erf) = vrcp.f32 v11  }
0x14f: {  	v11 =	vmul.f32 v12, v14;
	v13 =	vadd.f32 $1.000000000e+00, v13;
	v14 =	vpop (erf);
	(erf) = vrcp.f32 v18  }
0x150: {  	v16 =	vmul.f32 $-1.702000020e+00, v16;
	v14 =	vadd.f32 $1.000000000e+00, v14;
	(erf) = vpow2.f32 v19  }
0x151: {  	v7 =	vsub.f32 $0.0e+00, v7;
	v12 =	vsub.f32 $1.000000000e+00, v59;
	(erf) = vpow2.f32 v15;
	v15 =	vpop (erf)  }
0x152: {  	v63 =	vsub.f32 $1.000000000e+00, v4;
	v16 =	vmul.f32 v9, v16;
	(erf) = vpow2.f32 v8;
	v8 =	vpop (erf)  }
0x153: {  	v10 =	vadd.f32 $1.000000000e+00, v10;
	v12 =	vmul.f32 v15, v12;
	(erf) = vrcp.f32 v13;
	v13 =	vpop (erf)  }
0x154: {  	v11 =	vadd.f32 v11, v27;
	v8 =	vadd.f32 $1.000000000e+00, v8;
	(erf) = vrcp.f32 v14;
	v14 =	vpop (erf)  }
0x155: {  	s17 =	simm.s32 $0x1020;
	v15 =	vadd.f32 $1.000000000e+00, v62;
	v17 =	vadd.f32 v12, v59;
	v12 =	vmul.f32 $1.442695020e+00, v7;
	v7 =	vpop (erf)  }
0x156: {  	[tilespmem:s17+$0x10] =	vst v2;
	v14 =	vadd.f32 $1.000000000e+00, v14;
	(erf) = vrcp.f32 v8;
	v8 =	vmul.f32 v13, v63;
	v2 =	vpop (erf)  }
0x157: {  	s28 =	simm.s32 $0xCE0;
	s29 =	simm.s32 $0xAE0;
	s0 =	simm.s32 $0x1060;
	v1 =	vadd.f32 $1.000000000e+00, v48;
	[tilespmem:s17+$0xFFFFFFF0] =	vst v11;
	v9 =	vadd.f32 $-5.000000000e-01, v7;
	(erf) = vrcp.f32 v15;
	v7 =	vpop (erf)  }
0x158: {  	s18 =	simm.s32 $0x1060;
	s19 =	simm.s32 $0x6A0;
	s20 =	simm.s32 $0x8;
	v13 =	vmul.f32 $1.442695020e+00, v16;
	[tilespmem:s17+$0x0] =	vst v17;
	(erf) = vrcp.f32 v14;
	v8 =	vadd.f32 v8, v4;
	v11 =	vpop (erf)  }
.LBB2_4:
0x159: {  	v14 =	vld [tilespmem:s28+$0xFFFFFFE0];
	s20 =	sadd.s32 $0x4, s20;
	(erf) = vpow2.f32 v12;
	v12 =	vpop (erf);
	s0 =	sadd.s32 $0x40, s0;
	v4 =	vmov v7  }
0x15a: {  	v6 =	vmul.f32 $1.442695020e+00, v6;
	v7 =	vld [tilespmem:s29+$0x0];
	p0 =	slt.u32 s20, $0x1C;
	(erf) = vpow2.f32 v13;
	v13 =	vpop (erf);
	[tilespmem:s17+$0xFFFFFFE0] =	vst v8;
	s17 =	smov.u32 s18;
	s18 =	smov.u32 s0  }
0x15b: {  	v3 =	vmul.f32 $1.442695020e+00, v3;
	v8 =	vld [tilespmem:s29+$0x10];
	v15 =	vpop (erf);
	(erf) = vpow2.f32 v5;
	v5 =	vadd.f32 $1.000000000e+00, v13  }
0x15c: {  	v11 =	vmul.f32 $3.000000000e+00, v11;
	v13 =	vld [tilespmem:s29+$0xFFFFFFE0];
	v16 =	vpop (erf);
	(erf) = vpow2.f32 v6  }
0x15d: {  	v12 =	vadd.f32 $1.000000000e+00, v12;
	v6 =	vld [tilespmem:s28+$0x10];
	v16 =	vadd.f32 $-5.000000000e-01, v16;
	v17 =	vpop (erf);
	(erf) = vpow2.f32 v3  }
0x15e: {  	v3 =	vsub.f32 $0.0e+00, v14;
	v14 =	vld [tilespmem:s28+$0xFFFFFFF0];
	v17 =	vmul.f32 $3.000000000e+00, v17;
	(erf) = vrcp.f32 v10  }
0x15f: {  	v11 =	vmul.f32 $-1.702000020e+00, v11;
	v22 =	vsub.f32 $0.0e+00, v7;
	v10 =	vld [tilespmem:s28+$0x0];
	v16 =	vmul.f32 $8.000000000e+00, v16;
	v18 =	vpop (erf)  }
0x160: {  	s2 =	sadd.s32 $0x40, s2;
	v3 =	vmul.f32 $1.442695020e+00, v3;
	v18 =	vadd.f32 $-5.000000000e-01, v18;
	v19 =	vpop (erf);
	(erf) = vrcp.f32 v12  }
0x161: {  	v12 =	vsub.f32 $0.0e+00, v13;
	v13 =	vmul.f32 $1.442695020e+00, v22;
	v20 =	vld [tilespmem:s2+$0x10];
	v21 =	vpop (erf);
	(erf) = vrcp.f32 v5  }
0x162: {  	v5 =	vsub.f32 $0.0e+00, v6;
	(erf) = vpow2.f32 v3;
	v3 =	vld [tilespmem:s19+$0xFFFFFFE0];
	v6 =	vmul.f32 $8.000000000e+00, v9;
	v7 =	vpop (erf)  }
0x163: {  	v26 =	vadd.f32 $1.000000000e+00, v15;
	v8 =	vsub.f32 $0.0e+00, v8;
	v19 =	vmul.f32 $3.000000000e+00, v19;
	v9 =	vld [tilespmem:s29+$0xFFFFFFF0];
	v22 =	vpop (erf)  }
0x164: {  	v10 =	vsub.f32 $0.0e+00, v10;
	v5 =	vmul.f32 $1.442695020e+00, v5;
	v23 =	vpop (erf);
	v22 =	vadd.f32 $1.000000000e+00, v22  }
0x165: {  	v8 =	vmul.f32 $1.442695020e+00, v8;
	v18 =	vmul.f32 $8.000000000e+00, v18;
	v14 =	vsub.f32 $0.0e+00, v14;
	v24 =	vld [tilespmem:s19+$0x10];
	v25 =	vpop (erf)  }
0x166: {  	v10 =	vmul.f32 $1.442695020e+00, v10;
	v20 =	vsub.f32 $0.0e+00, v20;
	(erf) = vrcp.f32 v26;
	v15 =	vpop (erf)  }
0x167: {  	v29 =	vadd.f32 $-5.000000000e-01, v21;
	v14 =	vmul.f32 $1.442695020e+00, v14;
	v26 =	vpop (erf);
	(erf) = vrcp.f32 v1  }
0x168: {  	v3 =	vsub.f32 v3, v6;
	v1 =	vsub.f32 $0.0e+00, v9;
	v9 =	vmul.f32 $-1.702000020e+00, v17;
	v6 =	vld [tilespmem:s19+$0x0]  }
0x169: {  	v28 =	vsub.f32 $1.000000000e+00, v0;
	v12 =	vmul.f32 $1.442695020e+00, v12;
	v17 =	vld [tilespmem:s2+$0x0];
	v27 =	vpop (erf);
	(erf) = vrcp.f32 v22  }
0x16a: {  	(erf) = vpow2.f32 v13;
	v13 =	vmul.f32 $8.000000000e+00, v29;
	v16 =	vsub.f32 v24, v16;
	v21 =	vpop (erf)  }
0x16b: {  	v22 =	vld [tilespmem:s2+$0xFFFFFFE0];
	v24 =	vpop (erf);
	(erf) = vpow2.f32 v5;
	v5 =	vmul.f32 $-1.702000020e+00, v19;
	v19 =	vadd.f32 $1.000000000e+00, v25  }
0x16c: {  	v3 =	vmul.f32 v3, v9;
	v24 =	vadd.f32 $1.000000000e+00, v24;
	(erf) = vpow2.f32 v8  }
0x16d: {  	v8 =	vmul.f32 v21, v28;
	(erf) = vpow2.f32 v12;
	v6 =	vsub.f32 v6, v13  }
0x16e: {  	v12 =	vmul.f32 v16, v5;
	v13 =	vadd.f32 $1.000000000e+00, v15;
	v9 =	vsub.f32 $0.0e+00, v17  }
0x16f: {  	v15 =	vmul.f32 $1.442695020e+00, v1;
	v1 =	vadd.f32 $1.000000000e+00, v23;
	v16 =	vpop (erf);
	(erf) = vrcp.f32 v19  }
0x170: {  	v6 =	vmul.f32 v6, v11;
	v17 =	vsub.f32 $0.0e+00, v22;
	(erf) = vpow2.f32 v14;
	v11 =	vpop (erf)  }
0x171: {  	v2 =	vadd.f32 $1.000000000e+00, v2;
	v5 =	vmul.f32 $1.442695020e+00, v9;
	(erf) = vrcp.f32 v13  }
0x172: {  	v19 =	vmul.f32 $1.442695020e+00, v17;
	(erf) = vpow2.f32 v10;
	v10 =	vsub.f32 $1.000000000e+00, v26;
	v13 =	vpop (erf)  }
0x173: {  	v21 =	vadd.f32 v8, v0;
	v12 =	vmul.f32 $1.442695020e+00, v12;
	(erf) = vrcp.f32 v24;
	v14 =	vpop (erf);
	v17 =	vld [tilespmem:s19+$0xFFFFFFF0]  }
0x174: {  	v8 =	vadd.f32 $1.000000000e+00, v14;
	v14 =	vmul.f32 $1.442695020e+00, v20;
	(erf) = vpow2.f32 v19;
	v9 =	vpop (erf)  }
0x175: {  	v19 =	vld [tilespmem:s2+$0xFFFFFFF0];
	v20 =	vpop (erf);
	(erf) = vrcp.f32 v2;
	v2 =	vmul.f32 v13, v10;
	v10 =	vsub.f32 $1.000000000e+00, v11;
	[tilespmem:s17+$0x10] =	vst v21  }
0x176: {  	s19 =	sadd.s32 $0x40, s19;
	v9 =	vadd.f32 $1.000000000e+00, v9;
	v0 =	vpop (erf);
	(erf) = vrcp.f32 v8;
	v8 =	vmul.f32 $3.000000000e+00, v16  }
0x177: {  	v13 =	vadd.f32 $1.000000000e+00, v0;
	(erf) = vpow2.f32 v14;
	v2 =	vadd.f32 v2, v26;
	v0 =	vmovc v27  }
0x178: {  	v8 =	vmul.f32 $-1.702000020e+00, v8;
	v14 =	vsub.f32 v17, v18;
	(erf) = vpow2.f32 v12;
	v12 =	vpop (erf)  }
0x179: {  	v16 =	vsub.f32 $1.000000000e+00, v4;
	(erf) = vpow2.f32 v15;
	v15 =	vpop (erf);
	[tilespmem:s17+$0xFFFFFFF0] =	vst v2;
	v2 =	vmul.f32 v12, v10  }
0x17a: {  	v15 =	vadd.f32 $1.000000000e+00, v15;
	v10 =	vsub.f32 $0.0e+00, v19;
	(erf) = vrcp.f32 v9;
	v9 =	vpop (erf)  }
.Ltmp1:
0x17b: {  	v17 =	vadd.f32 $1.000000000e+00, v20;
	(erf) = vrcp.f32 v13;
	v13 =	vpop (erf);
	v11 =	vadd.f32 v2, v11;
	(pc) =	sbr.rel @p0 .LBB2_4-.Ltmp1, $4  }
0x17c: {  	v8 =	vmul.f32 v14, v8;
	v12 =	vmul.f32 $1.442695020e+00, v10;
	v18 =	vpop (erf);
	v10 =	vadd.f32 $1.000000000e+00, v7  }
0x17d: {  	v14 =	vmul.f32 v9, v16;
	v13 =	vadd.f32 $1.000000000e+00, v13;
	v2 =	vpop (erf);
	(erf) = vrcp.f32 v15;
	[tilespmem:s17+$0x0] =	vst v11  }
0x17e: {  	v9 =	vadd.f32 $-5.000000000e-01, v18;
	(erf) = vrcp.f32 v17;
	v7 =	vpop (erf)  }
0x17f: {  	s28 =	sadd.s32 $0x40, s28;
	s29 =	sadd.s32 $0x40, s29;
	v11 =	vpop (erf);
	(erf) = vrcp.f32 v13;
	v13 =	vmul.f32 $1.442695020e+00, v8;
	v8 =	vadd.f32 v14, v4  }
0x180: {  	(erf) = vpow2.f32 v12  }
0x181: {  	v4 =	vpop (erf);
	v6 =	vmul.f32 $1.442695020e+00, v6;
	(erf) = vpow2.f32 v13  }
0x182: {  	v3 =	vmul.f32 $1.442695020e+00, v3;
	v53 =	vpop (erf);
	(erf) = vpow2.f32 v5  }
0x183: {  	v54 =	vpop (erf);
	(erf) = vpow2.f32 v6  }
0x184: {  	v4 =	vadd.f32 $1.000000000e+00, v4;
	v55 =	vpop (erf);
	(erf) = vpow2.f32 v3  }
0x185: {  	v56 =	vadd.f32 $1.000000000e+00, v53;
	v57 =	vpop (erf);
	(erf) = vrcp.f32 v10  }
0x186: {  	v59 =	vadd.f32 $1.000000000e+00, v54;
	v58 =	vpop (erf);
	(erf) = vrcp.f32 v4  }
0x187: {  	v60 =	vpop (erf);
	(erf) = vrcp.f32 v56  }
0x188: {  	v61 =	vpop (erf);
	(erf) = vrcp.f32 v59  }
0x189: {  	v62 =	vpop (erf)  }
0x18a: {  	v14 =	vpop (erf)  }
0x18b: {  	v63 =	vld [tilespmem:s19+$0xFFFFFFE0];
	v15 =	vpop (erf)  }
0x18c: {  	v11 =	vmul.f32 $3.000000000e+00, v11;
	v16 =	vld [tilespmem:s19+$0x10];
	v9 =	vmul.f32 $8.000000000e+00, v9;
	v17 =	vpop (erf)  }
0x18d: {  	v2 =	vadd.f32 $1.000000000e+00, v2;
	v6 =	vadd.f32 $-5.000000000e-01, v55;
	v12 =	vmul.f32 $3.000000000e+00, v57;
	v18 =	vpop (erf)  }
0x18e: {  	v22 =	vld [tilespmem:s19+$0xFFFFFFF0];
	v11 =	vmul.f32 $-1.702000020e+00, v11;
	v10 =	vadd.f32 $-5.000000000e-01, v58;
	v5 =	vmul.f32 $3.000000000e+00, v60;
	v19 =	vpop (erf)  }
0x18f: {  	v6 =	vmul.f32 $8.000000000e+00, v6;
	v20 =	vmul.f32 $-1.702000020e+00, v12;
	v3 =	vadd.f32 $-5.000000000e-01, v61;
	v21 =	vpop (erf)  }
0x190: {  	v23 =	vld [tilespmem:s19+$0x0];
	v9 =	vsub.f32 v63, v9;
	v10 =	vmul.f32 $8.000000000e+00, v10;
	v5 =	vmul.f32 $-1.702000020e+00, v5;
	v24 =	vpop (erf)  }
0x191: {  	v6 =	vsub.f32 v16, v6;
	v3 =	vmul.f32 $8.000000000e+00, v3;
	(erf) = vrcp.f32 v1;
	v25 =	vpop (erf)  }
0x192: {  	v14 =	vadd.f32 $1.000000000e+00, v14;
	v1 =	vmul.f32 v9, v20;
	v9 =	vmul.f32 $3.000000000e+00, v25  }
0x193: {  	v10 =	vsub.f32 v22, v10;
	v5 =	vmul.f32 v6, v5;
	v17 =	vadd.f32 $1.000000000e+00, v17  }
0x194: {  	(erf) = vrcp.f32 v14;
	v26 =	vadd.f32 $1.000000000e+00, v18;
	v9 =	vmul.f32 $-1.702000020e+00, v9  }
0x195: {  	v3 =	vsub.f32 v23, v3;
	v5 =	vmul.f32 $1.442695020e+00, v5;
	(erf) = vrcp.f32 v17  }
0x196: {  	(erf) = vrcp.f32 v26;
	v27 =	vmul.f32 v10, v9  }
0x197: {  	v3 =	vmul.f32 v3, v11;
	(erf) = vrcp.f32 v2  }
0x198: {  	(erf) = vpow2.f32 v5;
	v28 =	vmul.f32 $1.442695020e+00, v27  }
0x199: {  	v3 =	vmul.f32 $1.442695020e+00, v3  }
0x19a: {  	v1 =	vmul.f32 $1.442695020e+00, v1;
	(erf) = vpow2.f32 v28  }
0x19b: {  	(erf) = vpow2.f32 v3  }
0x19c: {  	v29 =	vpop (erf);
	(erf) = vpow2.f32 v1  }
0x19d: {  	v30 =	vpop (erf)  }
0x19e: {  	v31 =	vpop (erf)  }
0x19f: {  	v32 =	vpop (erf)  }
0x1a0: {  	v33 =	vpop (erf)  }
0x1a1: {  	v4 =	vadd.f32 $1.000000000e+00, v62;
	v34 =	vpop (erf)  }
0x1a2: {  	v9 =	vadd.f32 $1.000000000e+00, v34  }
0x1a3: {  	v35 =	vadd.f32 $1.000000000e+00, v15;
	(erf) = vrcp.f32 v4;
	v36 =	vpop (erf)  }
0x1a4: {  	(erf) = vrcp.f32 v9;
	v4 =	vadd.f32 $1.000000000e+00, v36;
	v37 =	vpop (erf)  }
0x1a5: {  	v38 =	vpop (erf);
	(erf) = vrcp.f32 v35;
	v9 =	vadd.f32 $1.000000000e+00, v37  }
0x1a6: {  	(erf) = vrcp.f32 v4;
	v39 =	vadd.f32 $1.000000000e+00, v38  }
0x1a7: {  	(erf) = vrcp.f32 v9  }
0x1a8: {  	(erf) = vrcp.f32 v39  }
0x1a9: {  	v43 =	vsub.f32 $1.000000000e+00, v7  }
0x1aa: {  	v42 =	vsub.f32 $1.000000000e+00, v29  }
0x1ab: {  	v41 =	vsub.f32 $1.000000000e+00, v19;
	v5 =	vmul.f32 v32, v43  }
0x1ac: {  	v40 =	vsub.f32 $1.000000000e+00, v0;
	v3 =	vmul.f32 v31, v42;
	v44 =	vpop (erf)  }
0x1ad: {  	v46 =	vsub.f32 $1.000000000e+00, v21;
	v1 =	vmul.f32 v30, v41;
	v54 =	vadd.f32 v5, v7;
	v47 =	vpop (erf)  }
0x1ae: {  	[tilespmem:s17+$0xFFFFFFE0] =	vst v8;
	v50 =	vadd.f32 v3, v29;
	v4 =	vmul.f32 v24, v40;
	v49 =	vsub.f32 $1.000000000e+00, v44;
	v48 =	vpop (erf)  }
0x1af: {  	v1 =	vadd.f32 v1, v19;
	[tilespmem:s18+$0xFFFFFFE0] =	vst v54;
	v51 =	vmul.f32 v47, v46;
	v52 =	vpop (erf);
	v53 =	vsub.f32 $1.000000000e+00, v48  }
0x1b0: {  	v56 =	vsub.f32 $1.000000000e+00, v33;
	[tilespmem:s18+$0x0] =	vst v50;
	v45 =	vadd.f32 v4, v0;
	v3 =	vmul.f32 v52, v49;
	v55 =	vpop (erf)  }
0x1b1: {  	[tilespmem:s18+$0xFFFFFFF0] =	vst v1;
	v57 =	vadd.f32 v51, v21;
	v58 =	vmul.f32 v55, v53;
	v59 =	vpop (erf)  }
0x1b2: {  	s0 =	sadd.s32 $0x40, s0;
	[tilespmem:s18+$0x10] =	vst v45;
	v60 =	vadd.f32 v3, v44;
	v61 =	vmul.f32 v59, v56  }
0x1b3: {  	[tilespmem:s0+$0x10] =	vst v57;
	v62 =	vadd.f32 v58, v48  }
0x1b4: {  	[tilespmem:s0+$0xFFFFFFF0] =	vst v60;
	v63 =	vadd.f32 v61, v33  }
0x1b5: {  	[tilespmem:s0+$0x0] =	vst v62  }
0x1b6: {  	s31 =	simm.s32 $0x1000;
	[tilespmem:s0+$0xFFFFFFE0] =	vst v63  }
0x1b7: {  	[hbm4b:s10+s1] =	stream.linear.scatter [tilespmem:s31], [sflag:$0x1], $0x200, $0x38;
	[tilespmem:$0x1600] =	vst v63  }
0x1b8: {  	_ = 	snop  }
0x1b9: {  	[hbm4b:s11+s1] =	stream.linear.scatter [tilespmem:s24], [sflag:$0x1], $0x200, $0x38;
	[tilespmem:$0x1600] =	vst v63  }
0x1ba: {  	_ = 	snop  }
0x1bb: {  	[hbm4b:s12+s1] =	stream.linear.scatter [tilespmem:s25], [sflag:$0x1], $0x200, $0x38;
	[tilespmem:$0x1600] =	vst v63  }
0x1bc: {  	_ =	swait.ge [sflag:s16], $0x200  }
0x1bd: {  	[sflag:s16] =	ssyncset.done $0x0  }
0x1be: {  	s26 =	sadd.s32 $0x1, s26;
	[sflag:s16] =	ssyncadd.s32 $0xFFFFFE00  }
0x1bf: {  	p0 =	sne.s32 s26, s13;
	_ =	swait.ge [sflag:s16], $0x200  }
.Ltmp2:
0x1c0: {  	[sflag:s16] =	ssyncset.done $0x0;
	(pc) =	sbr.rel @p0 .LBB2_1-.Ltmp2, $4  }
0x1c1: {  	[sflag:s16] =	ssyncadd.s32 $0xFFFFFE00  }
0x1c2: {  	_ =	swait.ge [sflag:s16], $0x200  }
0x1c3: {  	[sflag:s16] =	ssyncset.done $0x0  }
0x1c4: {  	[sflag:s16] =	ssyncadd.s32 $0xFFFFFE00  }
0x1c5: {  	_ =	sfence.sel $0x180000  }
0x1c6: {  	[bflag:$0x0] =	sbarrier.arrive $0xFFFF  }
0x1c7: {  	_ =	strace $0x90000047  }
0x1c8: {  	s0 =	stileid.u32;
	[bflag:$0x2] =	sbarrier.arrive $0xFFFF  }
0x1c9: {  	p0 =	sne.s32 s0, $0x0;
	s0 =	rddreg [dreg:$0x7]  }
0x1ca: {  	s0 =	sadd.s32 @!p0 $0x100000, s0  }
0x1cb: {  	[sflag:s0] =	ssyncadd.tile.s32 @!p0 $0x1;
	_ =	shalt  }
.Lfunc_end2:
_tile_overlayer_lowered:
.L_overlay_start_2:
0x1cc: {  	(tag) =	ssettag $0x2  }
0x1cd: {  	s0 =	rddreg [dreg:$0x0];
	s2 =	stileid.u32  }
0x1ce: {  	s1 =	rddreg [dreg:$0x1];
	p0 =	sne.s32 s2, $0x0  }
0x1cf: {  	s3 =	rddreg [dreg:$0x2];
	[bflag:$0x3] =	sbarrier.arrive $0xFFFF;
	s2 =	simm.s32 @!p0 $0x1C03  }
0x1d0: {  	[timem:s3], [sflag:s2] =	dma.local @!p0 [hbm:s0], s1  }
0x1d1: {  	s0 =	simm.s32 @!p0 $0x3  }
0x1d2: {  	_ =	swait.ge @!p0 [sflag:s0], s1  }
0x1d3: {  	s1 =	ssub.s32 @!p0 $0x0, s1;
	[sflag:s0] =	ssyncset.done @!p0 $0x0  }
0x1d4: {  	[sflag:s0] =	ssyncadd.s32 @!p0 s1  }
0x1d5: {  	[bflag:$0x3] =	sbarrier.arrive $0xFFFF  }
0x1d6: {  	_ =	shalt  }

</sc_bundles>
